<compile_context>
chip_gen: v7x
topology: tpu7x:2x2x1
jax: 0.10.2.dev20260603
libtpu: 0.0.44.dev20260713+nightly
codegen_flags: <defaults>
</compile_context>

<pallas_src>
import functools

import jax
import jax.numpy as jnp
from jax import lax
from jax.experimental import pallas as pl
from jax.experimental.pallas import tpu as pltpu
from jax.experimental.pallas import tpu_sc as plsc

N = 10000
F = 128
NP = 10240
E = 320000
NC = 2
NS = 16
NW = NC * NS
C = 128
K = 80
NCH = NW * K
EPAD = NCH * C
RPT = NP // NS

KS = 40
NST = 2

_mesh = plsc.VectorSubcoreMesh(core_axis_name="c", subcore_axis_name="s")



@functools.partial(
    pl.kernel,
    out_type=jax.ShapeDtypeStruct((NC, NP, 16), jnp.float32),
    mesh=_mesh,
    scratch_types=[
        pltpu.VMEM_SHARED((NP, 16), jnp.float32),
        pltpu.VMEM((K, C), jnp.int32),
        pltpu.VMEM((C, 16), jnp.float32),
    ],
)
def _deg_kernel(col_hbm, out_hbm, dacc, cidx, ones):
    c = lax.axis_index("c")
    s = lax.axis_index("s")
    wid = s * NC + c
    base = wid * K

    @pl.loop(0, C)
    def _fill(i):
        ones[i, :] = jnp.ones((16,), jnp.float32)

    @pl.loop(0, RPT // C)
    def _init(k):
        pltpu.sync_copy(ones, dacc.at[pl.ds(s * RPT + k * C, C)])

    pltpu.sync_copy(col_hbm.at[pl.ds(base, K)], cidx)
    plsc.subcore_barrier()

    @pl.loop(0, K)
    def _scat(j):
        pltpu.sync_copy(ones, dacc.at[cidx.at[j]], add=True)

    plsc.subcore_barrier()
    pltpu.sync_copy(dacc.at[pl.ds(s * RPT, RPT)],
                    out_hbm.at[c, pl.ds(s * RPT, RPT)])


@functools.partial(
    pl.kernel,
    out_type=jax.ShapeDtypeStruct((NC, NP, F), jnp.float32),
    mesh=_mesh,
    scratch_types=[
        pltpu.VMEM_SHARED((NP, F), jnp.float32),
        pltpu.VMEM((KS, C), jnp.int32),
        pltpu.VMEM((KS, C), jnp.int32),
        pltpu.VMEM((C, F), jnp.float32),
        pltpu.VMEM((C, F), jnp.float32),
        pltpu.SemaphoreType.DMA,
        pltpu.SemaphoreType.DMA,
    ],
)
def _scatter_kernel(u_hbm, row_hbm, col_hbm, out_hbm, acc, ridx, cidx,
                    rows0, rows1, gsem0, gsem1):
    c = lax.axis_index("c")
    s = lax.axis_index("s")
    wid = s * NC + c
    base = wid * K

    pltpu.sync_copy(row_hbm.at[pl.ds(base, KS)], ridx)
    pltpu.sync_copy(col_hbm.at[pl.ds(base, KS)], cidx)
    pltpu.async_copy(u_hbm.at[ridx.at[0]], rows0, gsem0)
    pltpu.async_copy(u_hbm.at[ridx.at[1]], rows1, gsem1)

    pltpu.sync_copy(u_hbm.at[pl.ds(s * RPT, RPT)], acc.at[pl.ds(s * RPT, RPT)])
    plsc.subcore_barrier()

    for h in range(NST):
        if h > 0:
            ch0 = base + h * KS
            pltpu.sync_copy(row_hbm.at[pl.ds(ch0, KS)], ridx)
            pltpu.sync_copy(col_hbm.at[pl.ds(ch0, KS)], cidx)
            pltpu.async_copy(u_hbm.at[ridx.at[0]], rows0, gsem0)
            pltpu.async_copy(u_hbm.at[ridx.at[1]], rows1, gsem1)

        @pl.loop(0, KS // 2)
        def _edge_chunk(i):
            j = i * 2
            pltpu.make_async_copy(u_hbm.at[ridx.at[j]], rows0, gsem0).wait()
            pltpu.sync_copy(rows0, acc.at[cidx.at[j]], add=True)

            @pl.when(j + 2 < KS)
            def _():
                pltpu.async_copy(u_hbm.at[ridx.at[j + 2]], rows0, gsem0)

            pltpu.make_async_copy(u_hbm.at[ridx.at[j + 1]], rows1, gsem1).wait()
            pltpu.sync_copy(rows1, acc.at[cidx.at[j + 1]], add=True)

            @pl.when(j + 3 < KS)
            def _():
                pltpu.async_copy(u_hbm.at[ridx.at[j + 3]], rows1, gsem1)

    plsc.subcore_barrier()
    pltpu.sync_copy(acc.at[pl.ds(s * RPT, RPT)],
                    out_hbm.at[c, pl.ds(s * RPT, RPT)])



_R = 1024
_RO = 1000


def _dinv(deg_ref):
    return lax.rsqrt((deg_ref[0] + deg_ref[1])[:, 0:1])


def _mm_scale_body(x_ref, w_ref, deg_ref, o_ref):
    o_ref[...] = jnp.dot(x_ref[...], w_ref[...],
                         preferred_element_type=jnp.float32) * _dinv(deg_ref)


def _combine_mm_body(p_ref, deg_ref, b_ref, w_ref, o_ref):
    dinv = _dinv(deg_ref)
    y = (p_ref[0] + p_ref[1]) * dinv + b_ref[0:1, :]
    h = jnp.maximum(y, 0.0)
    o_ref[...] = jnp.dot(h, w_ref[...],
                         preferred_element_type=jnp.float32) * dinv


def _combine_lsm_body(p_ref, deg_ref, b_ref, o_ref):
    y = (p_ref[0] + p_ref[1]) * _dinv(deg_ref) + b_ref[0:1, :]
    m = jnp.max(y, axis=1, keepdims=True)
    sh = y - m
    o_ref[...] = sh - jnp.log(jnp.sum(jnp.exp(sh), axis=1, keepdims=True))


_row_spec = pl.BlockSpec((_R, F), lambda i: (i, 0))
_w_spec = pl.BlockSpec((F, F), lambda i: (0, 0))
_b_spec = pl.BlockSpec((8, F), lambda i: (0, 0))
_p_spec = pl.BlockSpec((NC, _R, F), lambda i: (0, i, 0))
_deg_spec = pl.BlockSpec((NC, _R, 16), lambda i: (0, i, 0))
_out_t = jax.ShapeDtypeStruct((NP, F), jnp.float32)
_grid = (NP // _R,)

_mm_scale = pl.pallas_call(
    _mm_scale_body, grid=_grid, out_shape=_out_t,
    in_specs=[_row_spec, _w_spec, _deg_spec], out_specs=_row_spec)

_combine_mm = pl.pallas_call(
    _combine_mm_body, grid=_grid, out_shape=_out_t,
    in_specs=[_p_spec, _deg_spec, _b_spec, _w_spec], out_specs=_row_spec)

_combine_lsm = pl.pallas_call(
    _combine_lsm_body, grid=(N // _RO,),
    out_shape=jax.ShapeDtypeStruct((N, F), jnp.float32),
    in_specs=[pl.BlockSpec((NC, _RO, F), lambda i: (0, i, 0)),
              pl.BlockSpec((NC, _RO, 16), lambda i: (0, i, 0)),
              _b_spec],
    out_specs=pl.BlockSpec((_RO, F), lambda i: (i, 0)))



def kernel(x, edge_index, W1, b1, W2, b2):
    row = edge_index[0]
    col = edge_index[1]
    pad = EPAD - E
    pad_ar = jnp.arange(pad, dtype=jnp.int32)
    row_r = jnp.concatenate(
        [row, pad_ar % N]).reshape(NCH, C)
    col_r = jnp.concatenate(
        [col, N + pad_ar % (NP - N)]).reshape(NCH, C)
    x_p = jnp.pad(x, ((0, NP - N), (0, 0)))

    deg_p = _deg_kernel(col_r)

    b1_b = jnp.broadcast_to(b1[None, :], (8, F))
    b2_b = jnp.broadcast_to(b2[None, :], (8, F))

    u1 = _mm_scale(x_p, W1, deg_p)
    p1 = _scatter_kernel(u1, row_r, col_r)
    u2 = _combine_mm(p1, deg_p, b1_b, W2)
    p2 = _scatter_kernel(u2, row_r, col_r)
    return _combine_lsm(p2, deg_p, b2_b)

# --- scband reference (transcript-rebuilt; emitter-appended) ---
"""Pipeline reference for scband-py-gcompatible-gcn-61864708932305 (READ-ONLY COPY).

The authoritative reference and input builder live on the scoring server;
editing this copy changes nothing except your own understanding.
"""

import jax, jax.numpy as jnp
import numpy as np

N_NODES = 10000
N_EDGES = 320000
IN_CH = 128
HID_CH = 128
OUT_CH = 128


def add_self_loops(edge_index, num_nodes):
    loops = jnp.arange(num_nodes, dtype=edge_index.dtype)
    loop_index = jnp.stack([loops, loops], axis=0)
    return jnp.concatenate([edge_index, loop_index], axis=1)


def gcn_conv(x, edge_index, W, b):
    # Faithful to PyG GCNConv defaults: adds self loops internally and applies
    # symmetric normalization D^{-1/2} (A+I) D^{-1/2}.
    num_nodes = x.shape[0]
    ei = add_self_loops(edge_index, num_nodes)
    row, col = ei[0], ei[1]
    edge_weight = jnp.ones((ei.shape[1],), dtype=x.dtype)
    deg = jnp.zeros((num_nodes,), dtype=x.dtype).at[col].add(edge_weight)
    deg_inv_sqrt = jnp.where(deg > 0, jax.lax.rsqrt(jnp.maximum(deg, 1e-12)), 0.0)
    norm = deg_inv_sqrt[row] * edge_weight * deg_inv_sqrt[col]
    xw = x @ W
    msgs = jnp.take(xw, row, axis=0) * norm[:, None]
    out = jax.ops.segment_sum(msgs, col, num_segments=num_nodes)
    return out + b


def setup_inputs(seed: int = 0):
    key = jax.random.key(seed)
    k1, k2, k3, k4, k5, k6 = jax.random.split(key, 6)
    x = jax.random.normal(k1, (N_NODES, IN_CH), dtype=jnp.float32)
    edge_index = jax.random.randint(k2, (2, N_EDGES), 0, N_NODES, dtype=jnp.int32)
    s1 = float(1.0 / np.sqrt(IN_CH))
    s2 = float(1.0 / np.sqrt(HID_CH))
    W1 = jax.random.uniform(k3, (IN_CH, HID_CH), jnp.float32, -s1, s1)
    b1 = jnp.zeros((HID_CH,), dtype=jnp.float32)
    W2 = jax.random.uniform(k4, (HID_CH, OUT_CH), jnp.float32, -s2, s2)
    b2 = jnp.zeros((OUT_CH,), dtype=jnp.float32)
    return {"x": x, "edge_index": edge_index, "W1": W1, "b1": b1, "W2": W2, "b2": b2}


def reference(x, edge_index, W1, b1, W2, b2):
    # Module forward: explicit add_self_loops, then two GCNConv layers
    # (each of which, per PyG defaults, adds self loops again).
    ei = add_self_loops(edge_index, x.shape[0])
    h = jax.nn.relu(gcn_conv(x, ei, W1, b1))
    h = gcn_conv(h, ei, W2, b2)
    return jax.nn.log_softmax(h, axis=1)

if __name__ == "__main__":
    import jax
    _d = setup_inputs()
    print(jax.jit(kernel)(*tuple(_d.values())))

</pallas_src>

<mosaic_0001>
#map = affine_map<(d0, d1) -> (0, 0)>
#map1 = affine_map<(d0, d1) -> (0, 0, 0)>
module attributes {stable_mosaic.version = 14 : i64} {
  func.func @_deg_kernel(%arg0: i32, %arg1: i32, %arg2: memref<2560x128xi32, #tpu.memory_space<hbm>>, %arg3: memref<2x10240x16xf32, #tpu.memory_space<hbm>>, %arg4: memref<10240x16xf32, #tpu.memory_space<vmem_shared>>, %arg5: memref<80x128xi32, #tpu.memory_space<vmem>>, %arg6: memref<128x16xf32, #tpu.memory_space<vmem>>) attributes {dimension_semantics = [#tpu.dimension_semantics<core_parallel>, #tpu.dimension_semantics<subcore_parallel>], iteration_bounds = array<i64: 2, 16>, scalar_prefetch = 0 : i64, scratch_operands = 3 : i64, tpu.core_type = #tpu.core_type<sc_vector_subcore>, window_params = [{transform_indices = #map}, {transform_indices = #map1}]} {
    %mul3A = arith.constant 2 : i32
    %mul3A_0 = arith.muli %arg1, %mul3A : i32
    %add3A = arith.addi %mul3A_0, %arg0 : i32
    %mul3A_1 = arith.constant 80 : i32
    %mul3A_2 = arith.muli %add3A, %mul3A_1 : i32
    %scan3A = arith.constant 0 : i32
    %scan3A_3 = arith.constant 128 : i32
    %scan3A_4 = arith.addi %scan3A, %scan3A_3 : i32
    %scan3A_5 = arith.constant 1 : i32
    scf.for %scan3A_22 = %scan3A to %scan3A_4 step %scan3A_5  : i32 {
      %mul3A_23 = arith.constant 1 : i32
      %mul3A_24 = arith.muli %scan3A_22, %mul3A_23 : i32
      %add3A_25 = arith.constant 0 : i32
      %add3A_26 = arith.addi %add3A_25, %mul3A_24 : i32
      %broadcast_in_dim3A = arith.constant 1.000000e+00 : f32
      %broadcast_in_dim3A_27 = vector.broadcast %broadcast_in_dim3A : f32 to vector<16xf32>
      %swap3A = arith.index_cast %add3A_26 : i32 to index
      %swap3A_28 = arith.constant 0 : index
      %swap3A_29 = tpu.vector_load %arg6[%swap3A, %swap3A_28] {strides = array<i32>} : memref<128x16xf32, #tpu.memory_space<vmem>>, vector<1x16xf32>,
      %swap3A_30 = vector.shape_cast %swap3A_29 : vector<1x16xf32> to vector<16xf32>
      %swap3A_31 = vector.shape_cast %broadcast_in_dim3A_27 : vector<16xf32> to vector<1x16xf32>
      tpu.vector_store %arg6[%swap3A, %swap3A_28], %swap3A_31 {strides = array<i32>} : memref<128x16xf32, #tpu.memory_space<vmem>>, vector<1x16xf32>,
    }
    %scan3A_6 = arith.constant 128 : i32
    %scan3A_7 = arith.constant 0 : i32
    %scan3A_8 = arith.constant 5 : i32
    %scan3A_9 = arith.addi %scan3A_7, %scan3A_8 : i32
    %scan3A_10 = arith.constant 1 : i32
    scf.for %scan3A_22 = %scan3A_7 to %scan3A_9 step %scan3A_10  : i32 {
      %mul3A_23 = arith.constant 1 : i32
      %mul3A_24 = arith.muli %scan3A_22, %mul3A_23 : i32
      %add3A_25 = arith.constant 0 : i32
      %add3A_26 = arith.addi %add3A_25, %mul3A_24 : i32
      %mul3A_27 = arith.constant 640 : i32
      %mul3A_28 = arith.muli %arg1, %mul3A_27 : i32
      %mul3A_29 = arith.constant 128 : i32
      %mul3A_30 = arith.muli %add3A_26, %mul3A_29 : i32
      %add3A_31 = arith.addi %mul3A_28, %mul3A_30 : i32
      "tpu.region"() ({
        %run_scoped3A = tpu.sem_alloc : memref<!tpu.dma_semaphore, #tpu.memory_space<semaphore_mem>>
        %dma_start3A = arith.constant 0 : i32
        %dma_start3A_32 = tpu.memref_slice %arg4[%add3A_31, %dma_start3A] : memref<10240x16xf32, #tpu.memory_space<vmem_shared>> -> memref<128x16xf32, #tpu.memory_space<vmem_shared>>
        %dma_start3A_33 = arith.constant 0 : i32
        %dma_start3A_34 = tpu.memref_slice %arg4[%add3A_31, %dma_start3A_33] : memref<10240x16xf32, #tpu.memory_space<vmem_shared>> -> memref<128x16xf32, #tpu.memory_space<vmem_shared>>
        tpu.enqueue_dma source(%arg6 : memref<128x16xf32, #tpu.memory_space<vmem>>) target(%dma_start3A_34 : memref<128x16xf32, #tpu.memory_space<vmem_shared>>) target_semaphore(%run_scoped3A : memref<!tpu.dma_semaphore, #tpu.memory_space<semaphore_mem>>)
        %dma_wait3A = arith.constant 0 : i32
        %dma_wait3A_35 = tpu.memref_slice %arg4[%add3A_31, %dma_wait3A] : memref<10240x16xf32, #tpu.memory_space<vmem_shared>> -> memref<128x16xf32, #tpu.memory_space<vmem_shared>>
        %dma_wait3A_36 = arith.constant 0 : i32
        %dma_wait3A_37 = tpu.memref_slice %arg4[%add3A_31, %dma_wait3A_36] : memref<10240x16xf32, #tpu.memory_space<vmem_shared>> -> memref<128x16xf32, #tpu.memory_space<vmem_shared>>
        tpu.wait_dma2 semaphore(%run_scoped3A : memref<!tpu.dma_semaphore, #tpu.memory_space<semaphore_mem>>) src(%arg6 : memref<128x16xf32, #tpu.memory_space<vmem>>) dst(%dma_wait3A_37 : memref<128x16xf32, #tpu.memory_space<vmem_shared>>)
        tpu.yield
      }) : () -> ()
    }
    %scan3A_11 = arith.constant 5 : i32
    "tpu.region"() ({
      %run_scoped3A = tpu.sem_alloc : memref<!tpu.dma_semaphore, #tpu.memory_space<semaphore_mem>>
      %dma_start3A = arith.constant 0 : i32
      %dma_start3A_22 = tpu.memref_slice %arg2[%mul3A_2, %dma_start3A] : memref<2560x128xi32, #tpu.memory_space<hbm>> -> memref<80x128xi32, #tpu.memory_space<hbm>>
      %dma_start3A_23 = arith.constant 0 : i32
      %dma_start3A_24 = tpu.memref_slice %arg2[%mul3A_2, %dma_start3A_23] : memref<2560x128xi32, #tpu.memory_space<hbm>> -> memref<80x128xi32, #tpu.memory_space<hbm>>
      tpu.enqueue_dma source(%dma_start3A_24 : memref<80x128xi32, #tpu.memory_space<hbm>>) target(%arg5 : memref<80x128xi32, #tpu.memory_space<vmem>>) target_semaphore(%run_scoped3A : memref<!tpu.dma_semaphore, #tpu.memory_space<semaphore_mem>>)
      %dma_wait3A = arith.constant 0 : i32
      %dma_wait3A_25 = tpu.memref_slice %arg2[%mul3A_2, %dma_wait3A] : memref<2560x128xi32, #tpu.memory_space<hbm>> -> memref<80x128xi32, #tpu.memory_space<hbm>>
      %dma_wait3A_26 = arith.constant 0 : i32
      %dma_wait3A_27 = tpu.memref_slice %arg2[%mul3A_2, %dma_wait3A_26] : memref<2560x128xi32, #tpu.memory_space<hbm>> -> memref<80x128xi32, #tpu.memory_space<hbm>>
      tpu.wait_dma2 semaphore(%run_scoped3A : memref<!tpu.dma_semaphore, #tpu.memory_space<semaphore_mem>>) src(%dma_wait3A_27 : memref<80x128xi32, #tpu.memory_space<hbm>>) dst(%arg5 : memref<80x128xi32, #tpu.memory_space<vmem>>)
      tpu.yield
    }) : () -> ()
    %barrier3A = arith.constant 0 : index
    tpu.barrier barrier_id(%barrier3A)
    %scan3A_12 = arith.constant 0 : i32
    %scan3A_13 = arith.constant 80 : i32
    %scan3A_14 = arith.addi %scan3A_12, %scan3A_13 : i32
    %scan3A_15 = arith.constant 1 : i32
    scf.for %scan3A_22 = %scan3A_12 to %scan3A_14 step %scan3A_15  : i32 {
      %mul3A_23 = arith.constant 1 : i32
      %mul3A_24 = arith.muli %scan3A_22, %mul3A_23 : i32
      %add3A_25 = arith.constant 0 : i32
      %add3A_26 = arith.addi %add3A_25, %mul3A_24 : i32
      "tpu.region"() ({
        %run_scoped3A = tpu.sem_alloc : memref<!tpu.dma_semaphore, #tpu.memory_space<semaphore_mem>>
        %dma_start3A = arith.constant 0 : i32
        %dma_start3A_27 = tpu.memref_slice %arg5[%add3A_26, %dma_start3A] : memref<80x128xi32, #tpu.memory_space<vmem>> -> memref<1x128xi32, #tpu.memory_space<vmem>>
        %dma_start3A_28 = tpu.memref_squeeze %dma_start3A_27 : memref<1x128xi32, #tpu.memory_space<vmem>> -> memref<128xi32, #tpu.memory_space<vmem>>
        %dma_start3A_29 = arith.constant 0 : i32
        %dma_start3A_30 = arith.constant 0 : i32
        %dma_start3A_31 = tpu.memref_slice %arg4[%dma_start3A_29, %dma_start3A_30] : memref<10240x16xf32, #tpu.memory_space<vmem_shared>> -> memref<10240x16xf32, #tpu.memory_space<vmem_shared>>
        tpu.enqueue_indirect_dma source(%arg6 : memref<128x16xf32, #tpu.memory_space<vmem>>) target(%dma_start3A_31 : memref<10240x16xf32, #tpu.memory_space<vmem_shared>>) offsets(%dma_start3A_28 : memref<128xi32, #tpu.memory_space<vmem>>) semaphore(%run_scoped3A : memref<!tpu.dma_semaphore, #tpu.memory_space<semaphore_mem>>) {add = true}
        %dma_wait3A = arith.constant 0 : i32
        %dma_wait3A_32 = tpu.memref_slice %arg5[%add3A_26, %dma_wait3A] : memref<80x128xi32, #tpu.memory_space<vmem>> -> memref<1x128xi32, #tpu.memory_space<vmem>>
        %dma_wait3A_33 = tpu.memref_squeeze %dma_wait3A_32 : memref<1x128xi32, #tpu.memory_space<vmem>> -> memref<128xi32, #tpu.memory_space<vmem>>
        %dma_wait3A_34 = arith.constant 0 : i32
        %dma_wait3A_35 = arith.constant 0 : i32
        %dma_wait3A_36 = tpu.memref_slice %arg4[%dma_wait3A_34, %dma_wait3A_35] : memref<10240x16xf32, #tpu.memory_space<vmem_shared>> -> memref<10240x16xf32, #tpu.memory_space<vmem_shared>>
        tpu.wait_indirect_dma semaphore(%run_scoped3A : memref<!tpu.dma_semaphore, #tpu.memory_space<semaphore_mem>>) src(%arg6 : memref<128x16xf32, #tpu.memory_space<vmem>>) dst(%dma_wait3A_36 : memref<10240x16xf32, #tpu.memory_space<vmem_shared>>)
        tpu.yield
      }) : () -> ()
    }
    %scan3A_16 = arith.constant 80 : i32
    %barrier3A_17 = arith.constant 0 : index
    tpu.barrier barrier_id(%barrier3A_17)
    %mul3A_18 = arith.constant 640 : i32
    %mul3A_19 = arith.muli %arg1, %mul3A_18 : i32
    %mul3A_20 = arith.constant 640 : i32
    %mul3A_21 = arith.muli %arg1, %mul3A_20 : i32
    "tpu.region"() ({
      %run_scoped3A = tpu.sem_alloc : memref<!tpu.dma_semaphore, #tpu.memory_space<semaphore_mem>>
      %dma_start3A = arith.constant 0 : i32
      %dma_start3A_22 = tpu.memref_slice %arg3[%arg0, %mul3A_21, %dma_start3A] : memref<2x10240x16xf32, #tpu.memory_space<hbm>> -> memref<1x640x16xf32, #tpu.memory_space<hbm>>
      %dma_start3A_23 = tpu.memref_squeeze %dma_start3A_22 : memref<1x640x16xf32, #tpu.memory_space<hbm>> -> memref<640x16xf32, #tpu.memory_space<hbm>>
      %dma_start3A_24 = arith.constant 0 : i32
      %dma_start3A_25 = tpu.memref_slice %arg4[%mul3A_19, %dma_start3A_24] : memref<10240x16xf32, #tpu.memory_space<vmem_shared>> -> memref<640x16xf32, #tpu.memory_space<vmem_shared>>
      tpu.enqueue_dma source(%dma_start3A_25 : memref<640x16xf32, #tpu.memory_space<vmem_shared>>) target(%dma_start3A_23 : memref<640x16xf32, #tpu.memory_space<hbm>>) target_semaphore(%run_scoped3A : memref<!tpu.dma_semaphore, #tpu.memory_space<semaphore_mem>>)
      %dma_wait3A = arith.constant 0 : i32
      %dma_wait3A_26 = tpu.memref_slice %arg3[%arg0, %mul3A_21, %dma_wait3A] : memref<2x10240x16xf32, #tpu.memory_space<hbm>> -> memref<1x640x16xf32, #tpu.memory_space<hbm>>
      %dma_wait3A_27 = tpu.memref_squeeze %dma_wait3A_26 : memref<1x640x16xf32, #tpu.memory_space<hbm>> -> memref<640x16xf32, #tpu.memory_space<hbm>>
      %dma_wait3A_28 = arith.constant 0 : i32
      %dma_wait3A_29 = tpu.memref_slice %arg4[%mul3A_19, %dma_wait3A_28] : memref<10240x16xf32, #tpu.memory_space<vmem_shared>> -> memref<640x16xf32, #tpu.memory_space<vmem_shared>>
      tpu.wait_dma2 semaphore(%run_scoped3A : memref<!tpu.dma_semaphore, #tpu.memory_space<semaphore_mem>>) src(%dma_wait3A_29 : memref<640x16xf32, #tpu.memory_space<vmem_shared>>) dst(%dma_wait3A_27 : memref<640x16xf32, #tpu.memory_space<hbm>>)
      tpu.yield
    }) : () -> ()
    return
  }
}

#map = affine_map<(d0, d1) -> (0, 0)>
#map1 = affine_map<(d0, d1) -> (0, 0, 0)>
module attributes {stable_mosaic.version = 14 : i64} {
  func.func @_scatter_kernel(%arg0: i32, %arg1: i32, %arg2: memref<10240x128xf32, #tpu.memory_space<hbm>>, %arg3: memref<2560x128xi32, #tpu.memory_space<hbm>>, %arg4: memref<2560x128xi32, #tpu.memory_space<hbm>>, %arg5: memref<2x10240x128xf32, #tpu.memory_space<hbm>>, %arg6: memref<10240x128xf32, #tpu.memory_space<vmem_shared>>, %arg7: memref<40x128xi32, #tpu.memory_space<vmem>>, %arg8: memref<40x128xi32, #tpu.memory_space<vmem>>, %arg9: memref<128x128xf32, #tpu.memory_space<vmem>>, %arg10: memref<128x128xf32, #tpu.memory_space<vmem>>, %arg11: memref<!tpu.dma_semaphore, #tpu.memory_space<semaphore_mem>>, %arg12: memref<!tpu.dma_semaphore, #tpu.memory_space<semaphore_mem>>) attributes {dimension_semantics = [#tpu.dimension_semantics<core_parallel>, #tpu.dimension_semantics<subcore_parallel>], iteration_bounds = array<i64: 2, 16>, scalar_prefetch = 0 : i64, scratch_operands = 7 : i64, tpu.core_type = #tpu.core_type<sc_vector_subcore>, window_params = [{transform_indices = #map}, {transform_indices = #map}, {transform_indices = #map}, {transform_indices = #map1}]} {
    %mul3A = arith.constant 2 : i32
    %mul3A_0 = arith.muli %arg1, %mul3A : i32
    %add3A = arith.addi %mul3A_0, %arg0 : i32
    %mul3A_1 = arith.constant 80 : i32
    %mul3A_2 = arith.muli %add3A, %mul3A_1 : i32
    "tpu.region"() ({
      %run_scoped3A = tpu.sem_alloc : memref<!tpu.dma_semaphore, #tpu.memory_space<semaphore_mem>>
      %dma_start3A_50 = arith.constant 0 : i32
      %dma_start3A_51 = tpu.memref_slice %arg3[%mul3A_2, %dma_start3A_50] : memref<2560x128xi32, #tpu.memory_space<hbm>> -> memref<40x128xi32, #tpu.memory_space<hbm>>
      %dma_start3A_52 = arith.constant 0 : i32
      %dma_start3A_53 = tpu.memref_slice %arg3[%mul3A_2, %dma_start3A_52] : memref<2560x128xi32, #tpu.memory_space<hbm>> -> memref<40x128xi32, #tpu.memory_space<hbm>>
      tpu.enqueue_dma source(%dma_start3A_53 : memref<40x128xi32, #tpu.memory_space<hbm>>) target(%arg7 : memref<40x128xi32, #tpu.memory_space<vmem>>) target_semaphore(%run_scoped3A : memref<!tpu.dma_semaphore, #tpu.memory_space<semaphore_mem>>)
      %dma_wait3A = arith.constant 0 : i32
      %dma_wait3A_54 = tpu.memref_slice %arg3[%mul3A_2, %dma_wait3A] : memref<2560x128xi32, #tpu.memory_space<hbm>> -> memref<40x128xi32, #tpu.memory_space<hbm>>
      %dma_wait3A_55 = arith.constant 0 : i32
      %dma_wait3A_56 = tpu.memref_slice %arg3[%mul3A_2, %dma_wait3A_55] : memref<2560x128xi32, #tpu.memory_space<hbm>> -> memref<40x128xi32, #tpu.memory_space<hbm>>
      tpu.wait_dma2 semaphore(%run_scoped3A : memref<!tpu.dma_semaphore, #tpu.memory_space<semaphore_mem>>) src(%dma_wait3A_56 : memref<40x128xi32, #tpu.memory_space<hbm>>) dst(%arg7 : memref<40x128xi32, #tpu.memory_space<vmem>>)
      tpu.yield
    }) : () -> ()
    "tpu.region"() ({
      %run_scoped3A = tpu.sem_alloc : memref<!tpu.dma_semaphore, #tpu.memory_space<semaphore_mem>>
      %dma_start3A_50 = arith.constant 0 : i32
      %dma_start3A_51 = tpu.memref_slice %arg4[%mul3A_2, %dma_start3A_50] : memref<2560x128xi32, #tpu.memory_space<hbm>> -> memref<40x128xi32, #tpu.memory_space<hbm>>
      %dma_start3A_52 = arith.constant 0 : i32
      %dma_start3A_53 = tpu.memref_slice %arg4[%mul3A_2, %dma_start3A_52] : memref<2560x128xi32, #tpu.memory_space<hbm>> -> memref<40x128xi32, #tpu.memory_space<hbm>>
      tpu.enqueue_dma source(%dma_start3A_53 : memref<40x128xi32, #tpu.memory_space<hbm>>) target(%arg8 : memref<40x128xi32, #tpu.memory_space<vmem>>) target_semaphore(%run_scoped3A : memref<!tpu.dma_semaphore, #tpu.memory_space<semaphore_mem>>)
      %dma_wait3A = arith.constant 0 : i32
      %dma_wait3A_54 = tpu.memref_slice %arg4[%mul3A_2, %dma_wait3A] : memref<2560x128xi32, #tpu.memory_space<hbm>> -> memref<40x128xi32, #tpu.memory_space<hbm>>
      %dma_wait3A_55 = arith.constant 0 : i32
      %dma_wait3A_56 = tpu.memref_slice %arg4[%mul3A_2, %dma_wait3A_55] : memref<2560x128xi32, #tpu.memory_space<hbm>> -> memref<40x128xi32, #tpu.memory_space<hbm>>
      tpu.wait_dma2 semaphore(%run_scoped3A : memref<!tpu.dma_semaphore, #tpu.memory_space<semaphore_mem>>) src(%dma_wait3A_56 : memref<40x128xi32, #tpu.memory_space<hbm>>) dst(%arg8 : memref<40x128xi32, #tpu.memory_space<vmem>>)
      tpu.yield
    }) : () -> ()
    %dma_start3A = arith.constant 0 : i32
    %dma_start3A_3 = arith.constant 0 : i32
    %dma_start3A_4 = tpu.memref_slice %arg7[%dma_start3A, %dma_start3A_3] : memref<40x128xi32, #tpu.memory_space<vmem>> -> memref<1x128xi32, #tpu.memory_space<vmem>>
    %dma_start3A_5 = tpu.memref_squeeze %dma_start3A_4 : memref<1x128xi32, #tpu.memory_space<vmem>> -> memref<128xi32, #tpu.memory_space<vmem>>
    %dma_start3A_6 = arith.constant 0 : i32
    %dma_start3A_7 = arith.constant 0 : i32
    %dma_start3A_8 = tpu.memref_slice %arg2[%dma_start3A_6, %dma_start3A_7] : memref<10240x128xf32, #tpu.memory_space<hbm>> -> memref<10240x128xf32, #tpu.memory_space<hbm>>
    tpu.enqueue_indirect_dma source(%dma_start3A_8 : memref<10240x128xf32, #tpu.memory_space<hbm>>) target(%arg9 : memref<128x128xf32, #tpu.memory_space<vmem>>) offsets(%dma_start3A_5 : memref<128xi32, #tpu.memory_space<vmem>>) semaphore(%arg11 : memref<!tpu.dma_semaphore, #tpu.memory_space<semaphore_mem>>)
    %dma_start3A_9 = arith.constant 1 : i32
    %dma_start3A_10 = arith.constant 0 : i32
    %dma_start3A_11 = tpu.memref_slice %arg7[%dma_start3A_9, %dma_start3A_10] : memref<40x128xi32, #tpu.memory_space<vmem>> -> memref<1x128xi32, #tpu.memory_space<vmem>>
    %dma_start3A_12 = tpu.memref_squeeze %dma_start3A_11 : memref<1x128xi32, #tpu.memory_space<vmem>> -> memref<128xi32, #tpu.memory_space<vmem>>
    %dma_start3A_13 = arith.constant 0 : i32
    %dma_start3A_14 = arith.constant 0 : i32
    %dma_start3A_15 = tpu.memref_slice %arg2[%dma_start3A_13, %dma_start3A_14] : memref<10240x128xf32, #tpu.memory_space<hbm>> -> memref<10240x128xf32, #tpu.memory_space<hbm>>
    tpu.enqueue_indirect_dma source(%dma_start3A_15 : memref<10240x128xf32, #tpu.memory_space<hbm>>) target(%arg10 : memref<128x128xf32, #tpu.memory_space<vmem>>) offsets(%dma_start3A_12 : memref<128xi32, #tpu.memory_space<vmem>>) semaphore(%arg12 : memref<!tpu.dma_semaphore, #tpu.memory_space<semaphore_mem>>)
    %mul3A_16 = arith.constant 640 : i32
    %mul3A_17 = arith.muli %arg1, %mul3A_16 : i32
    %mul3A_18 = arith.constant 640 : i32
    %mul3A_19 = arith.muli %arg1, %mul3A_18 : i32
    "tpu.region"() ({
      %run_scoped3A = tpu.sem_alloc : memref<!tpu.dma_semaphore, #tpu.memory_space<semaphore_mem>>
      %dma_start3A_50 = arith.constant 0 : i32
      %dma_start3A_51 = tpu.memref_slice %arg6[%mul3A_19, %dma_start3A_50] : memref<10240x128xf32, #tpu.memory_space<vmem_shared>> -> memref<640x128xf32, #tpu.memory_space<vmem_shared>>
      %dma_start3A_52 = arith.constant 0 : i32
      %dma_start3A_53 = tpu.memref_slice %arg2[%mul3A_17, %dma_start3A_52] : memref<10240x128xf32, #tpu.memory_space<hbm>> -> memref<640x128xf32, #tpu.memory_space<hbm>>
      tpu.enqueue_dma source(%dma_start3A_53 : memref<640x128xf32, #tpu.memory_space<hbm>>) target(%dma_start3A_51 : memref<640x128xf32, #tpu.memory_space<vmem_shared>>) target_semaphore(%run_scoped3A : memref<!tpu.dma_semaphore, #tpu.memory_space<semaphore_mem>>)
      %dma_wait3A = arith.constant 0 : i32
      %dma_wait3A_54 = tpu.memref_slice %arg6[%mul3A_19, %dma_wait3A] : memref<10240x128xf32, #tpu.memory_space<vmem_shared>> -> memref<640x128xf32, #tpu.memory_space<vmem_shared>>
      %dma_wait3A_55 = arith.constant 0 : i32
      %dma_wait3A_56 = tpu.memref_slice %arg2[%mul3A_17, %dma_wait3A_55] : memref<10240x128xf32, #tpu.memory_space<hbm>> -> memref<640x128xf32, #tpu.memory_space<hbm>>
      tpu.wait_dma2 semaphore(%run_scoped3A : memref<!tpu.dma_semaphore, #tpu.memory_space<semaphore_mem>>) src(%dma_wait3A_56 : memref<640x128xf32, #tpu.memory_space<hbm>>) dst(%dma_wait3A_54 : memref<640x128xf32, #tpu.memory_space<vmem_shared>>)
      tpu.yield
    }) : () -> ()
    %barrier3A = arith.constant 0 : index
    tpu.barrier barrier_id(%barrier3A)
    %scan3A = arith.constant 0 : i32
    %scan3A_20 = arith.constant 20 : i32
    %scan3A_21 = arith.addi %scan3A, %scan3A_20 : i32
    %scan3A_22 = arith.constant 1 : i32
    scf.for %scan3A_50 = %scan3A to %scan3A_21 step %scan3A_22  : i32 {
      %mul3A_51 = arith.constant 1 : i32
      %mul3A_52 = arith.muli %scan3A_50, %mul3A_51 : i32
      %add3A_53 = arith.constant 0 : i32
      %add3A_54 = arith.addi %add3A_53, %mul3A_52 : i32
      %mul3A_55 = arith.constant 2 : i32
      %mul3A_56 = arith.muli %add3A_54, %mul3A_55 : i32
      %dma_wait3A = arith.constant 0 : i32
      %dma_wait3A_57 = tpu.memref_slice %arg7[%mul3A_56, %dma_wait3A] : memref<40x128xi32, #tpu.memory_space<vmem>> -> memref<1x128xi32, #tpu.memory_space<vmem>>
      %dma_wait3A_58 = tpu.memref_squeeze %dma_wait3A_57 : memref<1x128xi32, #tpu.memory_space<vmem>> -> memref<128xi32, #tpu.memory_space<vmem>>
      %dma_wait3A_59 = arith.constant 0 : i32
      %dma_wait3A_60 = arith.constant 0 : i32
      %dma_wait3A_61 = tpu.memref_slice %arg2[%dma_wait3A_59, %dma_wait3A_60] : memref<10240x128xf32, #tpu.memory_space<hbm>> -> memref<10240x128xf32, #tpu.memory_space<hbm>>
      tpu.wait_indirect_dma semaphore(%arg11 : memref<!tpu.dma_semaphore, #tpu.memory_space<semaphore_mem>>) src(%dma_wait3A_61 : memref<10240x128xf32, #tpu.memory_space<hbm>>) dst(%arg9 : memref<128x128xf32, #tpu.memory_space<vmem>>)
      "tpu.region"() ({
        %run_scoped3A = tpu.sem_alloc : memref<!tpu.dma_semaphore, #tpu.memory_space<semaphore_mem>>
        %dma_start3A_83 = arith.constant 0 : i32
        %dma_start3A_84 = tpu.memref_slice %arg8[%mul3A_56, %dma_start3A_83] : memref<40x128xi32, #tpu.memory_space<vmem>> -> memref<1x128xi32, #tpu.memory_space<vmem>>
        %dma_start3A_85 = tpu.memref_squeeze %dma_start3A_84 : memref<1x128xi32, #tpu.memory_space<vmem>> -> memref<128xi32, #tpu.memory_space<vmem>>
        %dma_start3A_86 = arith.constant 0 : i32
        %dma_start3A_87 = arith.constant 0 : i32
        %dma_start3A_88 = tpu.memref_slice %arg6[%dma_start3A_86, %dma_start3A_87] : memref<10240x128xf32, #tpu.memory_space<vmem_shared>> -> memref<10240x128xf32, #tpu.memory_space<vmem_shared>>
        tpu.enqueue_indirect_dma source(%arg9 : memref<128x128xf32, #tpu.memory_space<vmem>>) target(%dma_start3A_88 : memref<10240x128xf32, #tpu.memory_space<vmem_shared>>) offsets(%dma_start3A_85 : memref<128xi32, #tpu.memory_space<vmem>>) semaphore(%run_scoped3A : memref<!tpu.dma_semaphore, #tpu.memory_space<semaphore_mem>>) {add = true}
        %dma_wait3A_89 = arith.constant 0 : i32
        %dma_wait3A_90 = tpu.memref_slice %arg8[%mul3A_56, %dma_wait3A_89] : memref<40x128xi32, #tpu.memory_space<vmem>> -> memref<1x128xi32, #tpu.memory_space<vmem>>
        %dma_wait3A_91 = tpu.memref_squeeze %dma_wait3A_90 : memref<1x128xi32, #tpu.memory_space<vmem>> -> memref<128xi32, #tpu.memory_space<vmem>>
        %dma_wait3A_92 = arith.constant 0 : i32
        %dma_wait3A_93 = arith.constant 0 : i32
        %dma_wait3A_94 = tpu.memref_slice %arg6[%dma_wait3A_92, %dma_wait3A_93] : memref<10240x128xf32, #tpu.memory_space<vmem_shared>> -> memref<10240x128xf32, #tpu.memory_space<vmem_shared>>
        tpu.wait_indirect_dma semaphore(%run_scoped3A : memref<!tpu.dma_semaphore, #tpu.memory_space<semaphore_mem>>) src(%arg9 : memref<128x128xf32, #tpu.memory_space<vmem>>) dst(%dma_wait3A_94 : memref<10240x128xf32, #tpu.memory_space<vmem_shared>>)
        tpu.yield
      }) : () -> ()
      %add3A_62 = arith.constant 2 : i32
      %add3A_63 = arith.addi %mul3A_56, %add3A_62 : i32
      %lt3A = arith.constant 40 : i32
      %lt3A_64 = arith.cmpi slt, %add3A_63, %lt3A : i32
      %convert_element_type3A = arith.extui %lt3A_64 : i1 to i32
      %cond3A = arith.constant 0 : i32
      %cond3A_65 = arith.cmpi ne, %convert_element_type3A, %cond3A : i32
      scf.if %cond3A_65 {
        %add3A_83 = arith.constant 2 : i32
        %add3A_84 = arith.addi %mul3A_56, %add3A_83 : i32
        %dma_start3A_85 = arith.constant 0 : i32
        %dma_start3A_86 = tpu.memref_slice %arg7[%add3A_84, %dma_start3A_85] : memref<40x128xi32, #tpu.memory_space<vmem>> -> memref<1x128xi32, #tpu.memory_space<vmem>>
        %dma_start3A_87 = tpu.memref_squeeze %dma_start3A_86 : memref<1x128xi32, #tpu.memory_space<vmem>> -> memref<128xi32, #tpu.memory_space<vmem>>
        %dma_start3A_88 = arith.constant 0 : i32
        %dma_start3A_89 = arith.constant 0 : i32
        %dma_start3A_90 = tpu.memref_slice %arg2[%dma_start3A_88, %dma_start3A_89] : memref<10240x128xf32, #tpu.memory_space<hbm>> -> memref<10240x128xf32, #tpu.memory_space<hbm>>
        tpu.enqueue_indirect_dma source(%dma_start3A_90 : memref<10240x128xf32, #tpu.memory_space<hbm>>) target(%arg9 : memref<128x128xf32, #tpu.memory_space<vmem>>) offsets(%dma_start3A_87 : memref<128xi32, #tpu.memory_space<vmem>>) semaphore(%arg11 : memref<!tpu.dma_semaphore, #tpu.memory_space<semaphore_mem>>)
      } else {
      }
      %add3A_66 = arith.constant 1 : i32
      %add3A_67 = arith.addi %mul3A_56, %add3A_66 : i32
      %dma_wait3A_68 = arith.constant 0 : i32
      %dma_wait3A_69 = tpu.memref_slice %arg7[%add3A_67, %dma_wait3A_68] : memref<40x128xi32, #tpu.memory_space<vmem>> -> memref<1x128xi32, #tpu.memory_space<vmem>>
      %dma_wait3A_70 = tpu.memref_squeeze %dma_wait3A_69 : memref<1x128xi32, #tpu.memory_space<vmem>> -> memref<128xi32, #tpu.memory_space<vmem>>
      %dma_wait3A_71 = arith.constant 0 : i32
      %dma_wait3A_72 = arith.constant 0 : i32
      %dma_wait3A_73 = tpu.memref_slice %arg2[%dma_wait3A_71, %dma_wait3A_72] : memref<10240x128xf32, #tpu.memory_space<hbm>> -> memref<10240x128xf32, #tpu.memory_space<hbm>>
      tpu.wait_indirect_dma semaphore(%arg12 : memref<!tpu.dma_semaphore, #tpu.memory_space<semaphore_mem>>) src(%dma_wait3A_73 : memref<10240x128xf32, #tpu.memory_space<hbm>>) dst(%arg10 : memref<128x128xf32, #tpu.memory_space<vmem>>)
      %add3A_74 = arith.constant 1 : i32
      %add3A_75 = arith.addi %mul3A_56, %add3A_74 : i32
      "tpu.region"() ({
        %run_scoped3A = tpu.sem_alloc : memref<!tpu.dma_semaphore, #tpu.memory_space<semaphore_mem>>
        %dma_start3A_83 = arith.constant 0 : i32
        %dma_start3A_84 = tpu.memref_slice %arg8[%add3A_75, %dma_start3A_83] : memref<40x128xi32, #tpu.memory_space<vmem>> -> memref<1x128xi32, #tpu.memory_space<vmem>>
        %dma_start3A_85 = tpu.memref_squeeze %dma_start3A_84 : memref<1x128xi32, #tpu.memory_space<vmem>> -> memref<128xi32, #tpu.memory_space<vmem>>
        %dma_start3A_86 = arith.constant 0 : i32
        %dma_start3A_87 = arith.constant 0 : i32
        %dma_start3A_88 = tpu.memref_slice %arg6[%dma_start3A_86, %dma_start3A_87] : memref<10240x128xf32, #tpu.memory_space<vmem_shared>> -> memref<10240x128xf32, #tpu.memory_space<vmem_shared>>
        tpu.enqueue_indirect_dma source(%arg10 : memref<128x128xf32, #tpu.memory_space<vmem>>) target(%dma_start3A_88 : memref<10240x128xf32, #tpu.memory_space<vmem_shared>>) offsets(%dma_start3A_85 : memref<128xi32, #tpu.memory_space<vmem>>) semaphore(%run_scoped3A : memref<!tpu.dma_semaphore, #tpu.memory_space<semaphore_mem>>) {add = true}
        %dma_wait3A_89 = arith.constant 0 : i32
        %dma_wait3A_90 = tpu.memref_slice %arg8[%add3A_75, %dma_wait3A_89] : memref<40x128xi32, #tpu.memory_space<vmem>> -> memref<1x128xi32, #tpu.memory_space<vmem>>
        %dma_wait3A_91 = tpu.memref_squeeze %dma_wait3A_90 : memref<1x128xi32, #tpu.memory_space<vmem>> -> memref<128xi32, #tpu.memory_space<vmem>>
        %dma_wait3A_92 = arith.constant 0 : i32
        %dma_wait3A_93 = arith.constant 0 : i32
        %dma_wait3A_94 = tpu.memref_slice %arg6[%dma_wait3A_92, %dma_wait3A_93] : memref<10240x128xf32, #tpu.memory_space<vmem_shared>> -> memref<10240x128xf32, #tpu.memory_space<vmem_shared>>
        tpu.wait_indirect_dma semaphore(%run_scoped3A : memref<!tpu.dma_semaphore, #tpu.memory_space<semaphore_mem>>) src(%arg10 : memref<128x128xf32, #tpu.memory_space<vmem>>) dst(%dma_wait3A_94 : memref<10240x128xf32, #tpu.memory_space<vmem_shared>>)
        tpu.yield
      }) : () -> ()
      %add3A_76 = arith.constant 3 : i32
      %add3A_77 = arith.addi %mul3A_56, %add3A_76 : i32
      %lt3A_78 = arith.constant 40 : i32
      %lt3A_79 = arith.cmpi slt, %add3A_77, %lt3A_78 : i32
      %convert_element_type3A_80 = arith.extui %lt3A_79 : i1 to i32
      %cond3A_81 = arith.constant 0 : i32
      %cond3A_82 = arith.cmpi ne, %convert_element_type3A_80, %cond3A_81 : i32
      scf.if %cond3A_82 {
        %add3A_83 = arith.constant 3 : i32
        %add3A_84 = arith.addi %mul3A_56, %add3A_83 : i32
        %dma_start3A_85 = arith.constant 0 : i32
        %dma_start3A_86 = tpu.memref_slice %arg7[%add3A_84, %dma_start3A_85] : memref<40x128xi32, #tpu.memory_space<vmem>> -> memref<1x128xi32, #tpu.memory_space<vmem>>
        %dma_start3A_87 = tpu.memref_squeeze %dma_start3A_86 : memref<1x128xi32, #tpu.memory_space<vmem>> -> memref<128xi32, #tpu.memory_space<vmem>>
        %dma_start3A_88 = arith.constant 0 : i32
        %dma_start3A_89 = arith.constant 0 : i32
        %dma_start3A_90 = tpu.memref_slice %arg2[%dma_start3A_88, %dma_start3A_89] : memref<10240x128xf32, #tpu.memory_space<hbm>> -> memref<10240x128xf32, #tpu.memory_space<hbm>>
        tpu.enqueue_indirect_dma source(%dma_start3A_90 : memref<10240x128xf32, #tpu.memory_space<hbm>>) target(%arg10 : memref<128x128xf32, #tpu.memory_space<vmem>>) offsets(%dma_start3A_87 : memref<128xi32, #tpu.memory_space<vmem>>) semaphore(%arg12 : memref<!tpu.dma_semaphore, #tpu.memory_space<semaphore_mem>>)
      } else {
      }
    }
    %scan3A_23 = arith.constant 20 : i32
    %add3A_24 = arith.constant 40 : i32
    %add3A_25 = arith.addi %mul3A_2, %add3A_24 : i32
    "tpu.region"() ({
      %run_scoped3A = tpu.sem_alloc : memref<!tpu.dma_semaphore, #tpu.memory_space<semaphore_mem>>
      %dma_start3A_50 = arith.constant 0 : i32
      %dma_start3A_51 = tpu.memref_slice %arg3[%add3A_25, %dma_start3A_50] : memref<2560x128xi32, #tpu.memory_space<hbm>> -> memref<40x128xi32, #tpu.memory_space<hbm>>
      %dma_start3A_52 = arith.constant 0 : i32
      %dma_start3A_53 = tpu.memref_slice %arg3[%add3A_25, %dma_start3A_52] : memref<2560x128xi32, #tpu.memory_space<hbm>> -> memref<40x128xi32, #tpu.memory_space<hbm>>
      tpu.enqueue_dma source(%dma_start3A_53 : memref<40x128xi32, #tpu.memory_space<hbm>>) target(%arg7 : memref<40x128xi32, #tpu.memory_space<vmem>>) target_semaphore(%run_scoped3A : memref<!tpu.dma_semaphore, #tpu.memory_space<semaphore_mem>>)
      %dma_wait3A = arith.constant 0 : i32
      %dma_wait3A_54 = tpu.memref_slice %arg3[%add3A_25, %dma_wait3A] : memref<2560x128xi32, #tpu.memory_space<hbm>> -> memref<40x128xi32, #tpu.memory_space<hbm>>
      %dma_wait3A_55 = arith.constant 0 : i32
      %dma_wait3A_56 = tpu.memref_slice %arg3[%add3A_25, %dma_wait3A_55] : memref<2560x128xi32, #tpu.memory_space<hbm>> -> memref<40x128xi32, #tpu.memory_space<hbm>>
      tpu.wait_dma2 semaphore(%run_scoped3A : memref<!tpu.dma_semaphore, #tpu.memory_space<semaphore_mem>>) src(%dma_wait3A_56 : memref<40x128xi32, #tpu.memory_space<hbm>>) dst(%arg7 : memref<40x128xi32, #tpu.memory_space<vmem>>)
      tpu.yield
    }) : () -> ()
    "tpu.region"() ({
      %run_scoped3A = tpu.sem_alloc : memref<!tpu.dma_semaphore, #tpu.memory_space<semaphore_mem>>
      %dma_start3A_50 = arith.constant 0 : i32
      %dma_start3A_51 = tpu.memref_slice %arg4[%add3A_25, %dma_start3A_50] : memref<2560x128xi32, #tpu.memory_space<hbm>> -> memref<40x128xi32, #tpu.memory_space<hbm>>
      %dma_start3A_52 = arith.constant 0 : i32
      %dma_start3A_53 = tpu.memref_slice %arg4[%add3A_25, %dma_start3A_52] : memref<2560x128xi32, #tpu.memory_space<hbm>> -> memref<40x128xi32, #tpu.memory_space<hbm>>
      tpu.enqueue_dma source(%dma_start3A_53 : memref<40x128xi32, #tpu.memory_space<hbm>>) target(%arg8 : memref<40x128xi32, #tpu.memory_space<vmem>>) target_semaphore(%run_scoped3A : memref<!tpu.dma_semaphore, #tpu.memory_space<semaphore_mem>>)
      %dma_wait3A = arith.constant 0 : i32
      %dma_wait3A_54 = tpu.memref_slice %arg4[%add3A_25, %dma_wait3A] : memref<2560x128xi32, #tpu.memory_space<hbm>> -> memref<40x128xi32, #tpu.memory_space<hbm>>
      %dma_wait3A_55 = arith.constant 0 : i32
      %dma_wait3A_56 = tpu.memref_slice %arg4[%add3A_25, %dma_wait3A_55] : memref<2560x128xi32, #tpu.memory_space<hbm>> -> memref<40x128xi32, #tpu.memory_space<hbm>>
      tpu.wait_dma2 semaphore(%run_scoped3A : memref<!tpu.dma_semaphore, #tpu.memory_space<semaphore_mem>>) src(%dma_wait3A_56 : memref<40x128xi32, #tpu.memory_space<hbm>>) dst(%arg8 : memref<40x128xi32, #tpu.memory_space<vmem>>)
      tpu.yield
    }) : () -> ()
    %dma_start3A_26 = arith.constant 0 : i32
    %dma_start3A_27 = arith.constant 0 : i32
    %dma_start3A_28 = tpu.memref_slice %arg7[%dma_start3A_26, %dma_start3A_27] : memref<40x128xi32, #tpu.memory_space<vmem>> -> memref<1x128xi32, #tpu.memory_space<vmem>>
    %dma_start3A_29 = tpu.memref_squeeze %dma_start3A_28 : memref<1x128xi32, #tpu.memory_space<vmem>> -> memref<128xi32, #tpu.memory_space<vmem>>
    %dma_start3A_30 = arith.constant 0 : i32
    %dma_start3A_31 = arith.constant 0 : i32
    %dma_start3A_32 = tpu.memref_slice %arg2[%dma_start3A_30, %dma_start3A_31] : memref<10240x128xf32, #tpu.memory_space<hbm>> -> memref<10240x128xf32, #tpu.memory_space<hbm>>
    tpu.enqueue_indirect_dma source(%dma_start3A_32 : memref<10240x128xf32, #tpu.memory_space<hbm>>) target(%arg9 : memref<128x128xf32, #tpu.memory_space<vmem>>) offsets(%dma_start3A_29 : memref<128xi32, #tpu.memory_space<vmem>>) semaphore(%arg11 : memref<!tpu.dma_semaphore, #tpu.memory_space<semaphore_mem>>)
    %dma_start3A_33 = arith.constant 1 : i32
    %dma_start3A_34 = arith.constant 0 : i32
    %dma_start3A_35 = tpu.memref_slice %arg7[%dma_start3A_33, %dma_start3A_34] : memref<40x128xi32, #tpu.memory_space<vmem>> -> memref<1x128xi32, #tpu.memory_space<vmem>>
    %dma_start3A_36 = tpu.memref_squeeze %dma_start3A_35 : memref<1x128xi32, #tpu.memory_space<vmem>> -> memref<128xi32, #tpu.memory_space<vmem>>
    %dma_start3A_37 = arith.constant 0 : i32
    %dma_start3A_38 = arith.constant 0 : i32
    %dma_start3A_39 = tpu.memref_slice %arg2[%dma_start3A_37, %dma_start3A_38] : memref<10240x128xf32, #tpu.memory_space<hbm>> -> memref<10240x128xf32, #tpu.memory_space<hbm>>
    tpu.enqueue_indirect_dma source(%dma_start3A_39 : memref<10240x128xf32, #tpu.memory_space<hbm>>) target(%arg10 : memref<128x128xf32, #tpu.memory_space<vmem>>) offsets(%dma_start3A_36 : memref<128xi32, #tpu.memory_space<vmem>>) semaphore(%arg12 : memref<!tpu.dma_semaphore, #tpu.memory_space<semaphore_mem>>)
    %scan3A_40 = arith.constant 0 : i32
    %scan3A_41 = arith.constant 20 : i32
    %scan3A_42 = arith.addi %scan3A_40, %scan3A_41 : i32
    %scan3A_43 = arith.constant 1 : i32
    scf.for %scan3A_50 = %scan3A_40 to %scan3A_42 step %scan3A_43  : i32 {
      %mul3A_51 = arith.constant 1 : i32
      %mul3A_52 = arith.muli %scan3A_50, %mul3A_51 : i32
      %add3A_53 = arith.constant 0 : i32
      %add3A_54 = arith.addi %add3A_53, %mul3A_52 : i32
      %mul3A_55 = arith.constant 2 : i32
      %mul3A_56 = arith.muli %add3A_54, %mul3A_55 : i32
      %dma_wait3A = arith.constant 0 : i32
      %dma_wait3A_57 = tpu.memref_slice %arg7[%mul3A_56, %dma_wait3A] : memref<40x128xi32, #tpu.memory_space<vmem>> -> memref<1x128xi32, #tpu.memory_space<vmem>>
      %dma_wait3A_58 = tpu.memref_squeeze %dma_wait3A_57 : memref<1x128xi32, #tpu.memory_space<vmem>> -> memref<128xi32, #tpu.memory_space<vmem>>
      %dma_wait3A_59 = arith.constant 0 : i32
      %dma_wait3A_60 = arith.constant 0 : i32
      %dma_wait3A_61 = tpu.memref_slice %arg2[%dma_wait3A_59, %dma_wait3A_60] : memref<10240x128xf32, #tpu.memory_space<hbm>> -> memref<10240x128xf32, #tpu.memory_space<hbm>>
      tpu.wait_indirect_dma semaphore(%arg11 : memref<!tpu.dma_semaphore, #tpu.memory_space<semaphore_mem>>) src(%dma_wait3A_61 : memref<10240x128xf32, #tpu.memory_space<hbm>>) dst(%arg9 : memref<128x128xf32, #tpu.memory_space<vmem>>)
      "tpu.region"() ({
        %run_scoped3A = tpu.sem_alloc : memref<!tpu.dma_semaphore, #tpu.memory_space<semaphore_mem>>
        %dma_start3A_83 = arith.constant 0 : i32
        %dma_start3A_84 = tpu.memref_slice %arg8[%mul3A_56, %dma_start3A_83] : memref<40x128xi32, #tpu.memory_space<vmem>> -> memref<1x128xi32, #tpu.memory_space<vmem>>
        %dma_start3A_85 = tpu.memref_squeeze %dma_start3A_84 : memref<1x128xi32, #tpu.memory_space<vmem>> -> memref<128xi32, #tpu.memory_space<vmem>>
        %dma_start3A_86 = arith.constant 0 : i32
        %dma_start3A_87 = arith.constant 0 : i32
        %dma_start3A_88 = tpu.memref_slice %arg6[%dma_start3A_86, %dma_start3A_87] : memref<10240x128xf32, #tpu.memory_space<vmem_shared>> -> memref<10240x128xf32, #tpu.memory_space<vmem_shared>>
        tpu.enqueue_indirect_dma source(%arg9 : memref<128x128xf32, #tpu.memory_space<vmem>>) target(%dma_start3A_88 : memref<10240x128xf32, #tpu.memory_space<vmem_shared>>) offsets(%dma_start3A_85 : memref<128xi32, #tpu.memory_space<vmem>>) semaphore(%run_scoped3A : memref<!tpu.dma_semaphore, #tpu.memory_space<semaphore_mem>>) {add = true}
        %dma_wait3A_89 = arith.constant 0 : i32
        %dma_wait3A_90 = tpu.memref_slice %arg8[%mul3A_56, %dma_wait3A_89] : memref<40x128xi32, #tpu.memory_space<vmem>> -> memref<1x128xi32, #tpu.memory_space<vmem>>
        %dma_wait3A_91 = tpu.memref_squeeze %dma_wait3A_90 : memref<1x128xi32, #tpu.memory_space<vmem>> -> memref<128xi32, #tpu.memory_space<vmem>>
        %dma_wait3A_92 = arith.constant 0 : i32
        %dma_wait3A_93 = arith.constant 0 : i32
        %dma_wait3A_94 = tpu.memref_slice %arg6[%dma_wait3A_92, %dma_wait3A_93] : memref<10240x128xf32, #tpu.memory_space<vmem_shared>> -> memref<10240x128xf32, #tpu.memory_space<vmem_shared>>
        tpu.wait_indirect_dma semaphore(%run_scoped3A : memref<!tpu.dma_semaphore, #tpu.memory_space<semaphore_mem>>) src(%arg9 : memref<128x128xf32, #tpu.memory_space<vmem>>) dst(%dma_wait3A_94 : memref<10240x128xf32, #tpu.memory_space<vmem_shared>>)
        tpu.yield
      }) : () -> ()
      %add3A_62 = arith.constant 2 : i32
      %add3A_63 = arith.addi %mul3A_56, %add3A_62 : i32
      %lt3A = arith.constant 40 : i32
      %lt3A_64 = arith.cmpi slt, %add3A_63, %lt3A : i32
      %convert_element_type3A = arith.extui %lt3A_64 : i1 to i32
      %cond3A = arith.constant 0 : i32
      %cond3A_65 = arith.cmpi ne, %convert_element_type3A, %cond3A : i32
      scf.if %cond3A_65 {
        %add3A_83 = arith.constant 2 : i32
        %add3A_84 = arith.addi %mul3A_56, %add3A_83 : i32
        %dma_start3A_85 = arith.constant 0 : i32
        %dma_start3A_86 = tpu.memref_slice %arg7[%add3A_84, %dma_start3A_85] : memref<40x128xi32, #tpu.memory_space<vmem>> -> memref<1x128xi32, #tpu.memory_space<vmem>>
        %dma_start3A_87 = tpu.memref_squeeze %dma_start3A_86 : memref<1x128xi32, #tpu.memory_space<vmem>> -> memref<128xi32, #tpu.memory_space<vmem>>
        %dma_start3A_88 = arith.constant 0 : i32
        %dma_start3A_89 = arith.constant 0 : i32
        %dma_start3A_90 = tpu.memref_slice %arg2[%dma_start3A_88, %dma_start3A_89] : memref<10240x128xf32, #tpu.memory_space<hbm>> -> memref<10240x128xf32, #tpu.memory_space<hbm>>
        tpu.enqueue_indirect_dma source(%dma_start3A_90 : memref<10240x128xf32, #tpu.memory_space<hbm>>) target(%arg9 : memref<128x128xf32, #tpu.memory_space<vmem>>) offsets(%dma_start3A_87 : memref<128xi32, #tpu.memory_space<vmem>>) semaphore(%arg11 : memref<!tpu.dma_semaphore, #tpu.memory_space<semaphore_mem>>)
      } else {
      }
      %add3A_66 = arith.constant 1 : i32
      %add3A_67 = arith.addi %mul3A_56, %add3A_66 : i32
      %dma_wait3A_68 = arith.constant 0 : i32
      %dma_wait3A_69 = tpu.memref_slice %arg7[%add3A_67, %dma_wait3A_68] : memref<40x128xi32, #tpu.memory_space<vmem>> -> memref<1x128xi32, #tpu.memory_space<vmem>>
      %dma_wait3A_70 = tpu.memref_squeeze %dma_wait3A_69 : memref<1x128xi32, #tpu.memory_space<vmem>> -> memref<128xi32, #tpu.memory_space<vmem>>
      %dma_wait3A_71 = arith.constant 0 : i32
      %dma_wait3A_72 = arith.constant 0 : i32
      %dma_wait3A_73 = tpu.memref_slice %arg2[%dma_wait3A_71, %dma_wait3A_72] : memref<10240x128xf32, #tpu.memory_space<hbm>> -> memref<10240x128xf32, #tpu.memory_space<hbm>>
      tpu.wait_indirect_dma semaphore(%arg12 : memref<!tpu.dma_semaphore, #tpu.memory_space<semaphore_mem>>) src(%dma_wait3A_73 : memref<10240x128xf32, #tpu.memory_space<hbm>>) dst(%arg10 : memref<128x128xf32, #tpu.memory_space<vmem>>)
      %add3A_74 = arith.constant 1 : i32
      %add3A_75 = arith.addi %mul3A_56, %add3A_74 : i32
      "tpu.region"() ({
        %run_scoped3A = tpu.sem_alloc : memref<!tpu.dma_semaphore, #tpu.memory_space<semaphore_mem>>
        %dma_start3A_83 = arith.constant 0 : i32
        %dma_start3A_84 = tpu.memref_slice %arg8[%add3A_75, %dma_start3A_83] : memref<40x128xi32, #tpu.memory_space<vmem>> -> memref<1x128xi32, #tpu.memory_space<vmem>>
        %dma_start3A_85 = tpu.memref_squeeze %dma_start3A_84 : memref<1x128xi32, #tpu.memory_space<vmem>> -> memref<128xi32, #tpu.memory_space<vmem>>
        %dma_start3A_86 = arith.constant 0 : i32
        %dma_start3A_87 = arith.constant 0 : i32
        %dma_start3A_88 = tpu.memref_slice %arg6[%dma_start3A_86, %dma_start3A_87] : memref<10240x128xf32, #tpu.memory_space<vmem_shared>> -> memref<10240x128xf32, #tpu.memory_space<vmem_shared>>
        tpu.enqueue_indirect_dma source(%arg10 : memref<128x128xf32, #tpu.memory_space<vmem>>) target(%dma_start3A_88 : memref<10240x128xf32, #tpu.memory_space<vmem_shared>>) offsets(%dma_start3A_85 : memref<128xi32, #tpu.memory_space<vmem>>) semaphore(%run_scoped3A : memref<!tpu.dma_semaphore, #tpu.memory_space<semaphore_mem>>) {add = true}
        %dma_wait3A_89 = arith.constant 0 : i32
        %dma_wait3A_90 = tpu.memref_slice %arg8[%add3A_75, %dma_wait3A_89] : memref<40x128xi32, #tpu.memory_space<vmem>> -> memref<1x128xi32, #tpu.memory_space<vmem>>
        %dma_wait3A_91 = tpu.memref_squeeze %dma_wait3A_90 : memref<1x128xi32, #tpu.memory_space<vmem>> -> memref<128xi32, #tpu.memory_space<vmem>>
        %dma_wait3A_92 = arith.constant 0 : i32
        %dma_wait3A_93 = arith.constant 0 : i32
        %dma_wait3A_94 = tpu.memref_slice %arg6[%dma_wait3A_92, %dma_wait3A_93] : memref<10240x128xf32, #tpu.memory_space<vmem_shared>> -> memref<10240x128xf32, #tpu.memory_space<vmem_shared>>
        tpu.wait_indirect_dma semaphore(%run_scoped3A : memref<!tpu.dma_semaphore, #tpu.memory_space<semaphore_mem>>) src(%arg10 : memref<128x128xf32, #tpu.memory_space<vmem>>) dst(%dma_wait3A_94 : memref<10240x128xf32, #tpu.memory_space<vmem_shared>>)
        tpu.yield
      }) : () -> ()
      %add3A_76 = arith.constant 3 : i32
      %add3A_77 = arith.addi %mul3A_56, %add3A_76 : i32
      %lt3A_78 = arith.constant 40 : i32
      %lt3A_79 = arith.cmpi slt, %add3A_77, %lt3A_78 : i32
      %convert_element_type3A_80 = arith.extui %lt3A_79 : i1 to i32
      %cond3A_81 = arith.constant 0 : i32
      %cond3A_82 = arith.cmpi ne, %convert_element_type3A_80, %cond3A_81 : i32
      scf.if %cond3A_82 {
        %add3A_83 = arith.constant 3 : i32
        %add3A_84 = arith.addi %mul3A_56, %add3A_83 : i32
        %dma_start3A_85 = arith.constant 0 : i32
        %dma_start3A_86 = tpu.memref_slice %arg7[%add3A_84, %dma_start3A_85] : memref<40x128xi32, #tpu.memory_space<vmem>> -> memref<1x128xi32, #tpu.memory_space<vmem>>
        %dma_start3A_87 = tpu.memref_squeeze %dma_start3A_86 : memref<1x128xi32, #tpu.memory_space<vmem>> -> memref<128xi32, #tpu.memory_space<vmem>>
        %dma_start3A_88 = arith.constant 0 : i32
        %dma_start3A_89 = arith.constant 0 : i32
        %dma_start3A_90 = tpu.memref_slice %arg2[%dma_start3A_88, %dma_start3A_89] : memref<10240x128xf32, #tpu.memory_space<hbm>> -> memref<10240x128xf32, #tpu.memory_space<hbm>>
        tpu.enqueue_indirect_dma source(%dma_start3A_90 : memref<10240x128xf32, #tpu.memory_space<hbm>>) target(%arg10 : memref<128x128xf32, #tpu.memory_space<vmem>>) offsets(%dma_start3A_87 : memref<128xi32, #tpu.memory_space<vmem>>) semaphore(%arg12 : memref<!tpu.dma_semaphore, #tpu.memory_space<semaphore_mem>>)
      } else {
      }
    }
    %scan3A_44 = arith.constant 20 : i32
    %barrier3A_45 = arith.constant 0 : index
    tpu.barrier barrier_id(%barrier3A_45)
    %mul3A_46 = arith.constant 640 : i32
    %mul3A_47 = arith.muli %arg1, %mul3A_46 : i32
    %mul3A_48 = arith.constant 640 : i32
    %mul3A_49 = arith.muli %arg1, %mul3A_48 : i32
    "tpu.region"() ({
      %run_scoped3A = tpu.sem_alloc : memref<!tpu.dma_semaphore, #tpu.memory_space<semaphore_mem>>
      %dma_start3A_50 = arith.constant 0 : i32
      %dma_start3A_51 = tpu.memref_slice %arg5[%arg0, %mul3A_49, %dma_start3A_50] : memref<2x10240x128xf32, #tpu.memory_space<hbm>> -> memref<1x640x128xf32, #tpu.memory_space<hbm>>
      %dma_start3A_52 = tpu.memref_squeeze %dma_start3A_51 : memref<1x640x128xf32, #tpu.memory_space<hbm>> -> memref<640x128xf32, #tpu.memory_space<hbm>>
      %dma_start3A_53 = arith.constant 0 : i32
      %dma_start3A_54 = tpu.memref_slice %arg6[%mul3A_47, %dma_start3A_53] : memref<10240x128xf32, #tpu.memory_space<vmem_shared>> -> memref<640x128xf32, #tpu.memory_space<vmem_shared>>
      tpu.enqueue_dma source(%dma_start3A_54 : memref<640x128xf32, #tpu.memory_space<vmem_shared>>) target(%dma_start3A_52 : memref<640x128xf32, #tpu.memory_space<hbm>>) target_semaphore(%run_scoped3A : memref<!tpu.dma_semaphore, #tpu.memory_space<semaphore_mem>>)
      %dma_wait3A = arith.constant 0 : i32
      %dma_wait3A_55 = tpu.memref_slice %arg5[%arg0, %mul3A_49, %dma_wait3A] : memref<2x10240x128xf32, #tpu.memory_space<hbm>> -> memref<1x640x128xf32, #tpu.memory_space<hbm>>
      %dma_wait3A_56 = tpu.memref_squeeze %dma_wait3A_55 : memref<1x640x128xf32, #tpu.memory_space<hbm>> -> memref<640x128xf32, #tpu.memory_space<hbm>>
      %dma_wait3A_57 = arith.constant 0 : i32
      %dma_wait3A_58 = tpu.memref_slice %arg6[%mul3A_47, %dma_wait3A_57] : memref<10240x128xf32, #tpu.memory_space<vmem_shared>> -> memref<640x128xf32, #tpu.memory_space<vmem_shared>>
      tpu.wait_dma2 semaphore(%run_scoped3A : memref<!tpu.dma_semaphore, #tpu.memory_space<semaphore_mem>>) src(%dma_wait3A_58 : memref<640x128xf32, #tpu.memory_space<vmem_shared>>) dst(%dma_wait3A_56 : memref<640x128xf32, #tpu.memory_space<hbm>>)
      tpu.yield
    }) : () -> ()
    return
  }
}

#map = affine_map<(d0, d1) -> (0, 0)>
#map1 = affine_map<(d0, d1) -> (0, 0, 0)>
module attributes {stable_mosaic.version = 14 : i64} {
  func.func @_scatter_kernel(%arg0: i32, %arg1: i32, %arg2: memref<10240x128xf32, #tpu.memory_space<hbm>>, %arg3: memref<2560x128xi32, #tpu.memory_space<hbm>>, %arg4: memref<2560x128xi32, #tpu.memory_space<hbm>>, %arg5: memref<2x10240x128xf32, #tpu.memory_space<hbm>>, %arg6: memref<10240x128xf32, #tpu.memory_space<vmem_shared>>, %arg7: memref<40x128xi32, #tpu.memory_space<vmem>>, %arg8: memref<40x128xi32, #tpu.memory_space<vmem>>, %arg9: memref<128x128xf32, #tpu.memory_space<vmem>>, %arg10: memref<128x128xf32, #tpu.memory_space<vmem>>, %arg11: memref<!tpu.dma_semaphore, #tpu.memory_space<semaphore_mem>>, %arg12: memref<!tpu.dma_semaphore, #tpu.memory_space<semaphore_mem>>) attributes {dimension_semantics = [#tpu.dimension_semantics<core_parallel>, #tpu.dimension_semantics<subcore_parallel>], iteration_bounds = array<i64: 2, 16>, scalar_prefetch = 0 : i64, scratch_operands = 7 : i64, tpu.core_type = #tpu.core_type<sc_vector_subcore>, window_params = [{transform_indices = #map}, {transform_indices = #map}, {transform_indices = #map}, {transform_indices = #map1}]} {
    %mul3A = arith.constant 2 : i32
    %mul3A_0 = arith.muli %arg1, %mul3A : i32
    %add3A = arith.addi %mul3A_0, %arg0 : i32
    %mul3A_1 = arith.constant 80 : i32
    %mul3A_2 = arith.muli %add3A, %mul3A_1 : i32
    "tpu.region"() ({
      %run_scoped3A = tpu.sem_alloc : memref<!tpu.dma_semaphore, #tpu.memory_space<semaphore_mem>>
      %dma_start3A_50 = arith.constant 0 : i32
      %dma_start3A_51 = tpu.memref_slice %arg3[%mul3A_2, %dma_start3A_50] : memref<2560x128xi32, #tpu.memory_space<hbm>> -> memref<40x128xi32, #tpu.memory_space<hbm>>
      %dma_start3A_52 = arith.constant 0 : i32
      %dma_start3A_53 = tpu.memref_slice %arg3[%mul3A_2, %dma_start3A_52] : memref<2560x128xi32, #tpu.memory_space<hbm>> -> memref<40x128xi32, #tpu.memory_space<hbm>>
      tpu.enqueue_dma source(%dma_start3A_53 : memref<40x128xi32, #tpu.memory_space<hbm>>) target(%arg7 : memref<40x128xi32, #tpu.memory_space<vmem>>) target_semaphore(%run_scoped3A : memref<!tpu.dma_semaphore, #tpu.memory_space<semaphore_mem>>)
      %dma_wait3A = arith.constant 0 : i32
      %dma_wait3A_54 = tpu.memref_slice %arg3[%mul3A_2, %dma_wait3A] : memref<2560x128xi32, #tpu.memory_space<hbm>> -> memref<40x128xi32, #tpu.memory_space<hbm>>
      %dma_wait3A_55 = arith.constant 0 : i32
      %dma_wait3A_56 = tpu.memref_slice %arg3[%mul3A_2, %dma_wait3A_55] : memref<2560x128xi32, #tpu.memory_space<hbm>> -> memref<40x128xi32, #tpu.memory_space<hbm>>
      tpu.wait_dma2 semaphore(%run_scoped3A : memref<!tpu.dma_semaphore, #tpu.memory_space<semaphore_mem>>) src(%dma_wait3A_56 : memref<40x128xi32, #tpu.memory_space<hbm>>) dst(%arg7 : memref<40x128xi32, #tpu.memory_space<vmem>>)
      tpu.yield
    }) : () -> ()
    "tpu.region"() ({
      %run_scoped3A = tpu.sem_alloc : memref<!tpu.dma_semaphore, #tpu.memory_space<semaphore_mem>>
      %dma_start3A_50 = arith.constant 0 : i32
      %dma_start3A_51 = tpu.memref_slice %arg4[%mul3A_2, %dma_start3A_50] : memref<2560x128xi32, #tpu.memory_space<hbm>> -> memref<40x128xi32, #tpu.memory_space<hbm>>
      %dma_start3A_52 = arith.constant 0 : i32
      %dma_start3A_53 = tpu.memref_slice %arg4[%mul3A_2, %dma_start3A_52] : memref<2560x128xi32, #tpu.memory_space<hbm>> -> memref<40x128xi32, #tpu.memory_space<hbm>>
      tpu.enqueue_dma source(%dma_start3A_53 : memref<40x128xi32, #tpu.memory_space<hbm>>) target(%arg8 : memref<40x128xi32, #tpu.memory_space<vmem>>) target_semaphore(%run_scoped3A : memref<!tpu.dma_semaphore, #tpu.memory_space<semaphore_mem>>)
      %dma_wait3A = arith.constant 0 : i32
      %dma_wait3A_54 = tpu.memref_slice %arg4[%mul3A_2, %dma_wait3A] : memref<2560x128xi32, #tpu.memory_space<hbm>> -> memref<40x128xi32, #tpu.memory_space<hbm>>
      %dma_wait3A_55 = arith.constant 0 : i32
      %dma_wait3A_56 = tpu.memref_slice %arg4[%mul3A_2, %dma_wait3A_55] : memref<2560x128xi32, #tpu.memory_space<hbm>> -> memref<40x128xi32, #tpu.memory_space<hbm>>
      tpu.wait_dma2 semaphore(%run_scoped3A : memref<!tpu.dma_semaphore, #tpu.memory_space<semaphore_mem>>) src(%dma_wait3A_56 : memref<40x128xi32, #tpu.memory_space<hbm>>) dst(%arg8 : memref<40x128xi32, #tpu.memory_space<vmem>>)
      tpu.yield
    }) : () -> ()
    %dma_start3A = arith.constant 0 : i32
    %dma_start3A_3 = arith.constant 0 : i32
    %dma_start3A_4 = tpu.memref_slice %arg7[%dma_start3A, %dma_start3A_3] : memref<40x128xi32, #tpu.memory_space<vmem>> -> memref<1x128xi32, #tpu.memory_space<vmem>>
    %dma_start3A_5 = tpu.memref_squeeze %dma_start3A_4 : memref<1x128xi32, #tpu.memory_space<vmem>> -> memref<128xi32, #tpu.memory_space<vmem>>
    %dma_start3A_6 = arith.constant 0 : i32
    %dma_start3A_7 = arith.constant 0 : i32
    %dma_start3A_8 = tpu.memref_slice %arg2[%dma_start3A_6, %dma_start3A_7] : memref<10240x128xf32, #tpu.memory_space<hbm>> -> memref<10240x128xf32, #tpu.memory_space<hbm>>
    tpu.enqueue_indirect_dma source(%dma_start3A_8 : memref<10240x128xf32, #tpu.memory_space<hbm>>) target(%arg9 : memref<128x128xf32, #tpu.memory_space<vmem>>) offsets(%dma_start3A_5 : memref<128xi32, #tpu.memory_space<vmem>>) semaphore(%arg11 : memref<!tpu.dma_semaphore, #tpu.memory_space<semaphore_mem>>)
    %dma_start3A_9 = arith.constant 1 : i32
    %dma_start3A_10 = arith.constant 0 : i32
    %dma_start3A_11 = tpu.memref_slice %arg7[%dma_start3A_9, %dma_start3A_10] : memref<40x128xi32, #tpu.memory_space<vmem>> -> memref<1x128xi32, #tpu.memory_space<vmem>>
    %dma_start3A_12 = tpu.memref_squeeze %dma_start3A_11 : memref<1x128xi32, #tpu.memory_space<vmem>> -> memref<128xi32, #tpu.memory_space<vmem>>
    %dma_start3A_13 = arith.constant 0 : i32
    %dma_start3A_14 = arith.constant 0 : i32
    %dma_start3A_15 = tpu.memref_slice %arg2[%dma_start3A_13, %dma_start3A_14] : memref<10240x128xf32, #tpu.memory_space<hbm>> -> memref<10240x128xf32, #tpu.memory_space<hbm>>
    tpu.enqueue_indirect_dma source(%dma_start3A_15 : memref<10240x128xf32, #tpu.memory_space<hbm>>) target(%arg10 : memref<128x128xf32, #tpu.memory_space<vmem>>) offsets(%dma_start3A_12 : memref<128xi32, #tpu.memory_space<vmem>>) semaphore(%arg12 : memref<!tpu.dma_semaphore, #tpu.memory_space<semaphore_mem>>)
    %mul3A_16 = arith.constant 640 : i32
    %mul3A_17 = arith.muli %arg1, %mul3A_16 : i32
    %mul3A_18 = arith.constant 640 : i32
    %mul3A_19 = arith.muli %arg1, %mul3A_18 : i32
    "tpu.region"() ({
      %run_scoped3A = tpu.sem_alloc : memref<!tpu.dma_semaphore, #tpu.memory_space<semaphore_mem>>
      %dma_start3A_50 = arith.constant 0 : i32
      %dma_start3A_51 = tpu.memref_slice %arg6[%mul3A_19, %dma_start3A_50] : memref<10240x128xf32, #tpu.memory_space<vmem_shared>> -> memref<640x128xf32, #tpu.memory_space<vmem_shared>>
      %dma_start3A_52 = arith.constant 0 : i32
      %dma_start3A_53 = tpu.memref_slice %arg2[%mul3A_17, %dma_start3A_52] : memref<10240x128xf32, #tpu.memory_space<hbm>> -> memref<640x128xf32, #tpu.memory_space<hbm>>
      tpu.enqueue_dma source(%dma_start3A_53 : memref<640x128xf32, #tpu.memory_space<hbm>>) target(%dma_start3A_51 : memref<640x128xf32, #tpu.memory_space<vmem_shared>>) target_semaphore(%run_scoped3A : memref<!tpu.dma_semaphore, #tpu.memory_space<semaphore_mem>>)
      %dma_wait3A = arith.constant 0 : i32
      %dma_wait3A_54 = tpu.memref_slice %arg6[%mul3A_19, %dma_wait3A] : memref<10240x128xf32, #tpu.memory_space<vmem_shared>> -> memref<640x128xf32, #tpu.memory_space<vmem_shared>>
      %dma_wait3A_55 = arith.constant 0 : i32
      %dma_wait3A_56 = tpu.memref_slice %arg2[%mul3A_17, %dma_wait3A_55] : memref<10240x128xf32, #tpu.memory_space<hbm>> -> memref<640x128xf32, #tpu.memory_space<hbm>>
      tpu.wait_dma2 semaphore(%run_scoped3A : memref<!tpu.dma_semaphore, #tpu.memory_space<semaphore_mem>>) src(%dma_wait3A_56 : memref<640x128xf32, #tpu.memory_space<hbm>>) dst(%dma_wait3A_54 : memref<640x128xf32, #tpu.memory_space<vmem_shared>>)
      tpu.yield
    }) : () -> ()
    %barrier3A = arith.constant 0 : index
    tpu.barrier barrier_id(%barrier3A)
    %scan3A = arith.constant 0 : i32
    %scan3A_20 = arith.constant 20 : i32
    %scan3A_21 = arith.addi %scan3A, %scan3A_20 : i32
    %scan3A_22 = arith.constant 1 : i32
    scf.for %scan3A_50 = %scan3A to %scan3A_21 step %scan3A_22  : i32 {
      %mul3A_51 = arith.constant 1 : i32
      %mul3A_52 = arith.muli %scan3A_50, %mul3A_51 : i32
      %add3A_53 = arith.constant 0 : i32
      %add3A_54 = arith.addi %add3A_53, %mul3A_52 : i32
      %mul3A_55 = arith.constant 2 : i32
      %mul3A_56 = arith.muli %add3A_54, %mul3A_55 : i32
      %dma_wait3A = arith.constant 0 : i32
      %dma_wait3A_57 = tpu.memref_slice %arg7[%mul3A_56, %dma_wait3A] : memref<40x128xi32, #tpu.memory_space<vmem>> -> memref<1x128xi32, #tpu.memory_space<vmem>>
      %dma_wait3A_58 = tpu.memref_squeeze %dma_wait3A_57 : memref<1x128xi32, #tpu.memory_space<vmem>> -> memref<128xi32, #tpu.memory_space<vmem>>
      %dma_wait3A_59 = arith.constant 0 : i32
      %dma_wait3A_60 = arith.constant 0 : i32
      %dma_wait3A_61 = tpu.memref_slice %arg2[%dma_wait3A_59, %dma_wait3A_60] : memref<10240x128xf32, #tpu.memory_space<hbm>> -> memref<10240x128xf32, #tpu.memory_space<hbm>>
      tpu.wait_indirect_dma semaphore(%arg11 : memref<!tpu.dma_semaphore, #tpu.memory_space<semaphore_mem>>) src(%dma_wait3A_61 : memref<10240x128xf32, #tpu.memory_space<hbm>>) dst(%arg9 : memref<128x128xf32, #tpu.memory_space<vmem>>)
      "tpu.region"() ({
        %run_scoped3A = tpu.sem_alloc : memref<!tpu.dma_semaphore, #tpu.memory_space<semaphore_mem>>
        %dma_start3A_83 = arith.constant 0 : i32
        %dma_start3A_84 = tpu.memref_slice %arg8[%mul3A_56, %dma_start3A_83] : memref<40x128xi32, #tpu.memory_space<vmem>> -> memref<1x128xi32, #tpu.memory_space<vmem>>
        %dma_start3A_85 = tpu.memref_squeeze %dma_start3A_84 : memref<1x128xi32, #tpu.memory_space<vmem>> -> memref<128xi32, #tpu.memory_space<vmem>>
        %dma_start3A_86 = arith.constant 0 : i32
        %dma_start3A_87 = arith.constant 0 : i32
        %dma_start3A_88 = tpu.memref_slice %arg6[%dma_start3A_86, %dma_start3A_87] : memref<10240x128xf32, #tpu.memory_space<vmem_shared>> -> memref<10240x128xf32, #tpu.memory_space<vmem_shared>>
        tpu.enqueue_indirect_dma source(%arg9 : memref<128x128xf32, #tpu.memory_space<vmem>>) target(%dma_start3A_88 : memref<10240x128xf32, #tpu.memory_space<vmem_shared>>) offsets(%dma_start3A_85 : memref<128xi32, #tpu.memory_space<vmem>>) semaphore(%run_scoped3A : memref<!tpu.dma_semaphore, #tpu.memory_space<semaphore_mem>>) {add = true}
        %dma_wait3A_89 = arith.constant 0 : i32
        %dma_wait3A_90 = tpu.memref_slice %arg8[%mul3A_56, %dma_wait3A_89] : memref<40x128xi32, #tpu.memory_space<vmem>> -> memref<1x128xi32, #tpu.memory_space<vmem>>
        %dma_wait3A_91 = tpu.memref_squeeze %dma_wait3A_90 : memref<1x128xi32, #tpu.memory_space<vmem>> -> memref<128xi32, #tpu.memory_space<vmem>>
        %dma_wait3A_92 = arith.constant 0 : i32
        %dma_wait3A_93 = arith.constant 0 : i32
        %dma_wait3A_94 = tpu.memref_slice %arg6[%dma_wait3A_92, %dma_wait3A_93] : memref<10240x128xf32, #tpu.memory_space<vmem_shared>> -> memref<10240x128xf32, #tpu.memory_space<vmem_shared>>
        tpu.wait_indirect_dma semaphore(%run_scoped3A : memref<!tpu.dma_semaphore, #tpu.memory_space<semaphore_mem>>) src(%arg9 : memref<128x128xf32, #tpu.memory_space<vmem>>) dst(%dma_wait3A_94 : memref<10240x128xf32, #tpu.memory_space<vmem_shared>>)
        tpu.yield
      }) : () -> ()
      %add3A_62 = arith.constant 2 : i32
      %add3A_63 = arith.addi %mul3A_56, %add3A_62 : i32
      %lt3A = arith.constant 40 : i32
      %lt3A_64 = arith.cmpi slt, %add3A_63, %lt3A : i32
      %convert_element_type3A = arith.extui %lt3A_64 : i1 to i32
      %cond3A = arith.constant 0 : i32
      %cond3A_65 = arith.cmpi ne, %convert_element_type3A, %cond3A : i32
      scf.if %cond3A_65 {
        %add3A_83 = arith.constant 2 : i32
        %add3A_84 = arith.addi %mul3A_56, %add3A_83 : i32
        %dma_start3A_85 = arith.constant 0 : i32
        %dma_start3A_86 = tpu.memref_slice %arg7[%add3A_84, %dma_start3A_85] : memref<40x128xi32, #tpu.memory_space<vmem>> -> memref<1x128xi32, #tpu.memory_space<vmem>>
        %dma_start3A_87 = tpu.memref_squeeze %dma_start3A_86 : memref<1x128xi32, #tpu.memory_space<vmem>> -> memref<128xi32, #tpu.memory_space<vmem>>
        %dma_start3A_88 = arith.constant 0 : i32
        %dma_start3A_89 = arith.constant 0 : i32
        %dma_start3A_90 = tpu.memref_slice %arg2[%dma_start3A_88, %dma_start3A_89] : memref<10240x128xf32, #tpu.memory_space<hbm>> -> memref<10240x128xf32, #tpu.memory_space<hbm>>
        tpu.enqueue_indirect_dma source(%dma_start3A_90 : memref<10240x128xf32, #tpu.memory_space<hbm>>) target(%arg9 : memref<128x128xf32, #tpu.memory_space<vmem>>) offsets(%dma_start3A_87 : memref<128xi32, #tpu.memory_space<vmem>>) semaphore(%arg11 : memref<!tpu.dma_semaphore, #tpu.memory_space<semaphore_mem>>)
      } else {
      }
      %add3A_66 = arith.constant 1 : i32
      %add3A_67 = arith.addi %mul3A_56, %add3A_66 : i32
      %dma_wait3A_68 = arith.constant 0 : i32
      %dma_wait3A_69 = tpu.memref_slice %arg7[%add3A_67, %dma_wait3A_68] : memref<40x128xi32, #tpu.memory_space<vmem>> -> memref<1x128xi32, #tpu.memory_space<vmem>>
      %dma_wait3A_70 = tpu.memref_squeeze %dma_wait3A_69 : memref<1x128xi32, #tpu.memory_space<vmem>> -> memref<128xi32, #tpu.memory_space<vmem>>
      %dma_wait3A_71 = arith.constant 0 : i32
      %dma_wait3A_72 = arith.constant 0 : i32
      %dma_wait3A_73 = tpu.memref_slice %arg2[%dma_wait3A_71, %dma_wait3A_72] : memref<10240x128xf32, #tpu.memory_space<hbm>> -> memref<10240x128xf32, #tpu.memory_space<hbm>>
      tpu.wait_indirect_dma semaphore(%arg12 : memref<!tpu.dma_semaphore, #tpu.memory_space<semaphore_mem>>) src(%dma_wait3A_73 : memref<10240x128xf32, #tpu.memory_space<hbm>>) dst(%arg10 : memref<128x128xf32, #tpu.memory_space<vmem>>)
      %add3A_74 = arith.constant 1 : i32
      %add3A_75 = arith.addi %mul3A_56, %add3A_74 : i32
      "tpu.region"() ({
        %run_scoped3A = tpu.sem_alloc : memref<!tpu.dma_semaphore, #tpu.memory_space<semaphore_mem>>
        %dma_start3A_83 = arith.constant 0 : i32
        %dma_start3A_84 = tpu.memref_slice %arg8[%add3A_75, %dma_start3A_83] : memref<40x128xi32, #tpu.memory_space<vmem>> -> memref<1x128xi32, #tpu.memory_space<vmem>>
        %dma_start3A_85 = tpu.memref_squeeze %dma_start3A_84 : memref<1x128xi32, #tpu.memory_space<vmem>> -> memref<128xi32, #tpu.memory_space<vmem>>
        %dma_start3A_86 = arith.constant 0 : i32
        %dma_start3A_87 = arith.constant 0 : i32
        %dma_start3A_88 = tpu.memref_slice %arg6[%dma_start3A_86, %dma_start3A_87] : memref<10240x128xf32, #tpu.memory_space<vmem_shared>> -> memref<10240x128xf32, #tpu.memory_space<vmem_shared>>
        tpu.enqueue_indirect_dma source(%arg10 : memref<128x128xf32, #tpu.memory_space<vmem>>) target(%dma_start3A_88 : memref<10240x128xf32, #tpu.memory_space<vmem_shared>>) offsets(%dma_start3A_85 : memref<128xi32, #tpu.memory_space<vmem>>) semaphore(%run_scoped3A : memref<!tpu.dma_semaphore, #tpu.memory_space<semaphore_mem>>) {add = true}
        %dma_wait3A_89 = arith.constant 0 : i32
        %dma_wait3A_90 = tpu.memref_slice %arg8[%add3A_75, %dma_wait3A_89] : memref<40x128xi32, #tpu.memory_space<vmem>> -> memref<1x128xi32, #tpu.memory_space<vmem>>
        %dma_wait3A_91 = tpu.memref_squeeze %dma_wait3A_90 : memref<1x128xi32, #tpu.memory_space<vmem>> -> memref<128xi32, #tpu.memory_space<vmem>>
        %dma_wait3A_92 = arith.constant 0 : i32
        %dma_wait3A_93 = arith.constant 0 : i32
        %dma_wait3A_94 = tpu.memref_slice %arg6[%dma_wait3A_92, %dma_wait3A_93] : memref<10240x128xf32, #tpu.memory_space<vmem_shared>> -> memref<10240x128xf32, #tpu.memory_space<vmem_shared>>
        tpu.wait_indirect_dma semaphore(%run_scoped3A : memref<!tpu.dma_semaphore, #tpu.memory_space<semaphore_mem>>) src(%arg10 : memref<128x128xf32, #tpu.memory_space<vmem>>) dst(%dma_wait3A_94 : memref<10240x128xf32, #tpu.memory_space<vmem_shared>>)
        tpu.yield
      }) : () -> ()
      %add3A_76 = arith.constant 3 : i32
      %add3A_77 = arith.addi %mul3A_56, %add3A_76 : i32
      %lt3A_78 = arith.constant 40 : i32
      %lt3A_79 = arith.cmpi slt, %add3A_77, %lt3A_78 : i32
      %convert_element_type3A_80 = arith.extui %lt3A_79 : i1 to i32
      %cond3A_81 = arith.constant 0 : i32
      %cond3A_82 = arith.cmpi ne, %convert_element_type3A_80, %cond3A_81 : i32
      scf.if %cond3A_82 {
        %add3A_83 = arith.constant 3 : i32
        %add3A_84 = arith.addi %mul3A_56, %add3A_83 : i32
        %dma_start3A_85 = arith.constant 0 : i32
        %dma_start3A_86 = tpu.memref_slice %arg7[%add3A_84, %dma_start3A_85] : memref<40x128xi32, #tpu.memory_space<vmem>> -> memref<1x128xi32, #tpu.memory_space<vmem>>
        %dma_start3A_87 = tpu.memref_squeeze %dma_start3A_86 : memref<1x128xi32, #tpu.memory_space<vmem>> -> memref<128xi32, #tpu.memory_space<vmem>>
        %dma_start3A_88 = arith.constant 0 : i32
        %dma_start3A_89 = arith.constant 0 : i32
        %dma_start3A_90 = tpu.memref_slice %arg2[%dma_start3A_88, %dma_start3A_89] : memref<10240x128xf32, #tpu.memory_space<hbm>> -> memref<10240x128xf32, #tpu.memory_space<hbm>>
        tpu.enqueue_indirect_dma source(%dma_start3A_90 : memref<10240x128xf32, #tpu.memory_space<hbm>>) target(%arg10 : memref<128x128xf32, #tpu.memory_space<vmem>>) offsets(%dma_start3A_87 : memref<128xi32, #tpu.memory_space<vmem>>) semaphore(%arg12 : memref<!tpu.dma_semaphore, #tpu.memory_space<semaphore_mem>>)
      } else {
      }
    }
    %scan3A_23 = arith.constant 20 : i32
    %add3A_24 = arith.constant 40 : i32
    %add3A_25 = arith.addi %mul3A_2, %add3A_24 : i32
    "tpu.region"() ({
      %run_scoped3A = tpu.sem_alloc : memref<!tpu.dma_semaphore, #tpu.memory_space<semaphore_mem>>
      %dma_start3A_50 = arith.constant 0 : i32
      %dma_start3A_51 = tpu.memref_slice %arg3[%add3A_25, %dma_start3A_50] : memref<2560x128xi32, #tpu.memory_space<hbm>> -> memref<40x128xi32, #tpu.memory_space<hbm>>
      %dma_start3A_52 = arith.constant 0 : i32
      %dma_start3A_53 = tpu.memref_slice %arg3[%add3A_25, %dma_start3A_52] : memref<2560x128xi32, #tpu.memory_space<hbm>> -> memref<40x128xi32, #tpu.memory_space<hbm>>
      tpu.enqueue_dma source(%dma_start3A_53 : memref<40x128xi32, #tpu.memory_space<hbm>>) target(%arg7 : memref<40x128xi32, #tpu.memory_space<vmem>>) target_semaphore(%run_scoped3A : memref<!tpu.dma_semaphore, #tpu.memory_space<semaphore_mem>>)
      %dma_wait3A = arith.constant 0 : i32
      %dma_wait3A_54 = tpu.memref_slice %arg3[%add3A_25, %dma_wait3A] : memref<2560x128xi32, #tpu.memory_space<hbm>> -> memref<40x128xi32, #tpu.memory_space<hbm>>
      %dma_wait3A_55 = arith.constant 0 : i32
      %dma_wait3A_56 = tpu.memref_slice %arg3[%add3A_25, %dma_wait3A_55] : memref<2560x128xi32, #tpu.memory_space<hbm>> -> memref<40x128xi32, #tpu.memory_space<hbm>>
      tpu.wait_dma2 semaphore(%run_scoped3A : memref<!tpu.dma_semaphore, #tpu.memory_space<semaphore_mem>>) src(%dma_wait3A_56 : memref<40x128xi32, #tpu.memory_space<hbm>>) dst(%arg7 : memref<40x128xi32, #tpu.memory_space<vmem>>)
      tpu.yield
    }) : () -> ()
    "tpu.region"() ({
      %run_scoped3A = tpu.sem_alloc : memref<!tpu.dma_semaphore, #tpu.memory_space<semaphore_mem>>
      %dma_start3A_50 = arith.constant 0 : i32
      %dma_start3A_51 = tpu.memref_slice %arg4[%add3A_25, %dma_start3A_50] : memref<2560x128xi32, #tpu.memory_space<hbm>> -> memref<40x128xi32, #tpu.memory_space<hbm>>
      %dma_start3A_52 = arith.constant 0 : i32
      %dma_start3A_53 = tpu.memref_slice %arg4[%add3A_25, %dma_start3A_52] : memref<2560x128xi32, #tpu.memory_space<hbm>> -> memref<40x128xi32, #tpu.memory_space<hbm>>
      tpu.enqueue_dma source(%dma_start3A_53 : memref<40x128xi32, #tpu.memory_space<hbm>>) target(%arg8 : memref<40x128xi32, #tpu.memory_space<vmem>>) target_semaphore(%run_scoped3A : memref<!tpu.dma_semaphore, #tpu.memory_space<semaphore_mem>>)
      %dma_wait3A = arith.constant 0 : i32
      %dma_wait3A_54 = tpu.memref_slice %arg4[%add3A_25, %dma_wait3A] : memref<2560x128xi32, #tpu.memory_space<hbm>> -> memref<40x128xi32, #tpu.memory_space<hbm>>
      %dma_wait3A_55 = arith.constant 0 : i32
      %dma_wait3A_56 = tpu.memref_slice %arg4[%add3A_25, %dma_wait3A_55] : memref<2560x128xi32, #tpu.memory_space<hbm>> -> memref<40x128xi32, #tpu.memory_space<hbm>>
      tpu.wait_dma2 semaphore(%run_scoped3A : memref<!tpu.dma_semaphore, #tpu.memory_space<semaphore_mem>>) src(%dma_wait3A_56 : memref<40x128xi32, #tpu.memory_space<hbm>>) dst(%arg8 : memref<40x128xi32, #tpu.memory_space<vmem>>)
      tpu.yield
    }) : () -> ()
    %dma_start3A_26 = arith.constant 0 : i32
    %dma_start3A_27 = arith.constant 0 : i32
    %dma_start3A_28 = tpu.memref_slice %arg7[%dma_start3A_26, %dma_start3A_27] : memref<40x128xi32, #tpu.memory_space<vmem>> -> memref<1x128xi32, #tpu.memory_space<vmem>>
    %dma_start3A_29 = tpu.memref_squeeze %dma_start3A_28 : memref<1x128xi32, #tpu.memory_space<vmem>> -> memref<128xi32, #tpu.memory_space<vmem>>
    %dma_start3A_30 = arith.constant 0 : i32
    %dma_start3A_31 = arith.constant 0 : i32
    %dma_start3A_32 = tpu.memref_slice %arg2[%dma_start3A_30, %dma_start3A_31] : memref<10240x128xf32, #tpu.memory_space<hbm>> -> memref<10240x128xf32, #tpu.memory_space<hbm>>
    tpu.enqueue_indirect_dma source(%dma_start3A_32 : memref<10240x128xf32, #tpu.memory_space<hbm>>) target(%arg9 : memref<128x128xf32, #tpu.memory_space<vmem>>) offsets(%dma_start3A_29 : memref<128xi32, #tpu.memory_space<vmem>>) semaphore(%arg11 : memref<!tpu.dma_semaphore, #tpu.memory_space<semaphore_mem>>)
    %dma_start3A_33 = arith.constant 1 : i32
    %dma_start3A_34 = arith.constant 0 : i32
    %dma_start3A_35 = tpu.memref_slice %arg7[%dma_start3A_33, %dma_start3A_34] : memref<40x128xi32, #tpu.memory_space<vmem>> -> memref<1x128xi32, #tpu.memory_space<vmem>>
    %dma_start3A_36 = tpu.memref_squeeze %dma_start3A_35 : memref<1x128xi32, #tpu.memory_space<vmem>> -> memref<128xi32, #tpu.memory_space<vmem>>
    %dma_start3A_37 = arith.constant 0 : i32
    %dma_start3A_38 = arith.constant 0 : i32
    %dma_start3A_39 = tpu.memref_slice %arg2[%dma_start3A_37, %dma_start3A_38] : memref<10240x128xf32, #tpu.memory_space<hbm>> -> memref<10240x128xf32, #tpu.memory_space<hbm>>
    tpu.enqueue_indirect_dma source(%dma_start3A_39 : memref<10240x128xf32, #tpu.memory_space<hbm>>) target(%arg10 : memref<128x128xf32, #tpu.memory_space<vmem>>) offsets(%dma_start3A_36 : memref<128xi32, #tpu.memory_space<vmem>>) semaphore(%arg12 : memref<!tpu.dma_semaphore, #tpu.memory_space<semaphore_mem>>)
    %scan3A_40 = arith.constant 0 : i32
    %scan3A_41 = arith.constant 20 : i32
    %scan3A_42 = arith.addi %scan3A_40, %scan3A_41 : i32
    %scan3A_43 = arith.constant 1 : i32
    scf.for %scan3A_50 = %scan3A_40 to %scan3A_42 step %scan3A_43  : i32 {
      %mul3A_51 = arith.constant 1 : i32
      %mul3A_52 = arith.muli %scan3A_50, %mul3A_51 : i32
      %add3A_53 = arith.constant 0 : i32
      %add3A_54 = arith.addi %add3A_53, %mul3A_52 : i32
      %mul3A_55 = arith.constant 2 : i32
      %mul3A_56 = arith.muli %add3A_54, %mul3A_55 : i32
      %dma_wait3A = arith.constant 0 : i32
      %dma_wait3A_57 = tpu.memref_slice %arg7[%mul3A_56, %dma_wait3A] : memref<40x128xi32, #tpu.memory_space<vmem>> -> memref<1x128xi32, #tpu.memory_space<vmem>>
      %dma_wait3A_58 = tpu.memref_squeeze %dma_wait3A_57 : memref<1x128xi32, #tpu.memory_space<vmem>> -> memref<128xi32, #tpu.memory_space<vmem>>
      %dma_wait3A_59 = arith.constant 0 : i32
      %dma_wait3A_60 = arith.constant 0 : i32
      %dma_wait3A_61 = tpu.memref_slice %arg2[%dma_wait3A_59, %dma_wait3A_60] : memref<10240x128xf32, #tpu.memory_space<hbm>> -> memref<10240x128xf32, #tpu.memory_space<hbm>>
      tpu.wait_indirect_dma semaphore(%arg11 : memref<!tpu.dma_semaphore, #tpu.memory_space<semaphore_mem>>) src(%dma_wait3A_61 : memref<10240x128xf32, #tpu.memory_space<hbm>>) dst(%arg9 : memref<128x128xf32, #tpu.memory_space<vmem>>)
      "tpu.region"() ({
        %run_scoped3A = tpu.sem_alloc : memref<!tpu.dma_semaphore, #tpu.memory_space<semaphore_mem>>
        %dma_start3A_83 = arith.constant 0 : i32
        %dma_start3A_84 = tpu.memref_slice %arg8[%mul3A_56, %dma_start3A_83] : memref<40x128xi32, #tpu.memory_space<vmem>> -> memref<1x128xi32, #tpu.memory_space<vmem>>
        %dma_start3A_85 = tpu.memref_squeeze %dma_start3A_84 : memref<1x128xi32, #tpu.memory_space<vmem>> -> memref<128xi32, #tpu.memory_space<vmem>>
        %dma_start3A_86 = arith.constant 0 : i32
        %dma_start3A_87 = arith.constant 0 : i32
        %dma_start3A_88 = tpu.memref_slice %arg6[%dma_start3A_86, %dma_start3A_87] : memref<10240x128xf32, #tpu.memory_space<vmem_shared>> -> memref<10240x128xf32, #tpu.memory_space<vmem_shared>>
        tpu.enqueue_indirect_dma source(%arg9 : memref<128x128xf32, #tpu.memory_space<vmem>>) target(%dma_start3A_88 : memref<10240x128xf32, #tpu.memory_space<vmem_shared>>) offsets(%dma_start3A_85 : memref<128xi32, #tpu.memory_space<vmem>>) semaphore(%run_scoped3A : memref<!tpu.dma_semaphore, #tpu.memory_space<semaphore_mem>>) {add = true}
        %dma_wait3A_89 = arith.constant 0 : i32
        %dma_wait3A_90 = tpu.memref_slice %arg8[%mul3A_56, %dma_wait3A_89] : memref<40x128xi32, #tpu.memory_space<vmem>> -> memref<1x128xi32, #tpu.memory_space<vmem>>
        %dma_wait3A_91 = tpu.memref_squeeze %dma_wait3A_90 : memref<1x128xi32, #tpu.memory_space<vmem>> -> memref<128xi32, #tpu.memory_space<vmem>>
        %dma_wait3A_92 = arith.constant 0 : i32
        %dma_wait3A_93 = arith.constant 0 : i32
        %dma_wait3A_94 = tpu.memref_slice %arg6[%dma_wait3A_92, %dma_wait3A_93] : memref<10240x128xf32, #tpu.memory_space<vmem_shared>> -> memref<10240x128xf32, #tpu.memory_space<vmem_shared>>
        tpu.wait_indirect_dma semaphore(%run_scoped3A : memref<!tpu.dma_semaphore, #tpu.memory_space<semaphore_mem>>) src(%arg9 : memref<128x128xf32, #tpu.memory_space<vmem>>) dst(%dma_wait3A_94 : memref<10240x128xf32, #tpu.memory_space<vmem_shared>>)
        tpu.yield
      }) : () -> ()
      %add3A_62 = arith.constant 2 : i32
      %add3A_63 = arith.addi %mul3A_56, %add3A_62 : i32
      %lt3A = arith.constant 40 : i32
      %lt3A_64 = arith.cmpi slt, %add3A_63, %lt3A : i32
      %convert_element_type3A = arith.extui %lt3A_64 : i1 to i32
      %cond3A = arith.constant 0 : i32
      %cond3A_65 = arith.cmpi ne, %convert_element_type3A, %cond3A : i32
      scf.if %cond3A_65 {
        %add3A_83 = arith.constant 2 : i32
        %add3A_84 = arith.addi %mul3A_56, %add3A_83 : i32
        %dma_start3A_85 = arith.constant 0 : i32
        %dma_start3A_86 = tpu.memref_slice %arg7[%add3A_84, %dma_start3A_85] : memref<40x128xi32, #tpu.memory_space<vmem>> -> memref<1x128xi32, #tpu.memory_space<vmem>>
        %dma_start3A_87 = tpu.memref_squeeze %dma_start3A_86 : memref<1x128xi32, #tpu.memory_space<vmem>> -> memref<128xi32, #tpu.memory_space<vmem>>
        %dma_start3A_88 = arith.constant 0 : i32
        %dma_start3A_89 = arith.constant 0 : i32
        %dma_start3A_90 = tpu.memref_slice %arg2[%dma_start3A_88, %dma_start3A_89] : memref<10240x128xf32, #tpu.memory_space<hbm>> -> memref<10240x128xf32, #tpu.memory_space<hbm>>
        tpu.enqueue_indirect_dma source(%dma_start3A_90 : memref<10240x128xf32, #tpu.memory_space<hbm>>) target(%arg9 : memref<128x128xf32, #tpu.memory_space<vmem>>) offsets(%dma_start3A_87 : memref<128xi32, #tpu.memory_space<vmem>>) semaphore(%arg11 : memref<!tpu.dma_semaphore, #tpu.memory_space<semaphore_mem>>)
      } else {
      }
      %add3A_66 = arith.constant 1 : i32
      %add3A_67 = arith.addi %mul3A_56, %add3A_66 : i32
      %dma_wait3A_68 = arith.constant 0 : i32
      %dma_wait3A_69 = tpu.memref_slice %arg7[%add3A_67, %dma_wait3A_68] : memref<40x128xi32, #tpu.memory_space<vmem>> -> memref<1x128xi32, #tpu.memory_space<vmem>>
      %dma_wait3A_70 = tpu.memref_squeeze %dma_wait3A_69 : memref<1x128xi32, #tpu.memory_space<vmem>> -> memref<128xi32, #tpu.memory_space<vmem>>
      %dma_wait3A_71 = arith.constant 0 : i32
      %dma_wait3A_72 = arith.constant 0 : i32
      %dma_wait3A_73 = tpu.memref_slice %arg2[%dma_wait3A_71, %dma_wait3A_72] : memref<10240x128xf32, #tpu.memory_space<hbm>> -> memref<10240x128xf32, #tpu.memory_space<hbm>>
      tpu.wait_indirect_dma semaphore(%arg12 : memref<!tpu.dma_semaphore, #tpu.memory_space<semaphore_mem>>) src(%dma_wait3A_73 : memref<10240x128xf32, #tpu.memory_space<hbm>>) dst(%arg10 : memref<128x128xf32, #tpu.memory_space<vmem>>)
      %add3A_74 = arith.constant 1 : i32
      %add3A_75 = arith.addi %mul3A_56, %add3A_74 : i32
      "tpu.region"() ({
        %run_scoped3A = tpu.sem_alloc : memref<!tpu.dma_semaphore, #tpu.memory_space<semaphore_mem>>
        %dma_start3A_83 = arith.constant 0 : i32
        %dma_start3A_84 = tpu.memref_slice %arg8[%add3A_75, %dma_start3A_83] : memref<40x128xi32, #tpu.memory_space<vmem>> -> memref<1x128xi32, #tpu.memory_space<vmem>>
        %dma_start3A_85 = tpu.memref_squeeze %dma_start3A_84 : memref<1x128xi32, #tpu.memory_space<vmem>> -> memref<128xi32, #tpu.memory_space<vmem>>
        %dma_start3A_86 = arith.constant 0 : i32
        %dma_start3A_87 = arith.constant 0 : i32
        %dma_start3A_88 = tpu.memref_slice %arg6[%dma_start3A_86, %dma_start3A_87] : memref<10240x128xf32, #tpu.memory_space<vmem_shared>> -> memref<10240x128xf32, #tpu.memory_space<vmem_shared>>
        tpu.enqueue_indirect_dma source(%arg10 : memref<128x128xf32, #tpu.memory_space<vmem>>) target(%dma_start3A_88 : memref<10240x128xf32, #tpu.memory_space<vmem_shared>>) offsets(%dma_start3A_85 : memref<128xi32, #tpu.memory_space<vmem>>) semaphore(%run_scoped3A : memref<!tpu.dma_semaphore, #tpu.memory_space<semaphore_mem>>) {add = true}
        %dma_wait3A_89 = arith.constant 0 : i32
        %dma_wait3A_90 = tpu.memref_slice %arg8[%add3A_75, %dma_wait3A_89] : memref<40x128xi32, #tpu.memory_space<vmem>> -> memref<1x128xi32, #tpu.memory_space<vmem>>
        %dma_wait3A_91 = tpu.memref_squeeze %dma_wait3A_90 : memref<1x128xi32, #tpu.memory_space<vmem>> -> memref<128xi32, #tpu.memory_space<vmem>>
        %dma_wait3A_92 = arith.constant 0 : i32
        %dma_wait3A_93 = arith.constant 0 : i32
        %dma_wait3A_94 = tpu.memref_slice %arg6[%dma_wait3A_92, %dma_wait3A_93] : memref<10240x128xf32, #tpu.memory_space<vmem_shared>> -> memref<10240x128xf32, #tpu.memory_space<vmem_shared>>
        tpu.wait_indirect_dma semaphore(%run_scoped3A : memref<!tpu.dma_semaphore, #tpu.memory_space<semaphore_mem>>) src(%arg10 : memref<128x128xf32, #tpu.memory_space<vmem>>) dst(%dma_wait3A_94 : memref<10240x128xf32, #tpu.memory_space<vmem_shared>>)
        tpu.yield
      }) : () -> ()
      %add3A_76 = arith.constant 3 : i32
      %add3A_77 = arith.addi %mul3A_56, %add3A_76 : i32
      %lt3A_78 = arith.constant 40 : i32
      %lt3A_79 = arith.cmpi slt, %add3A_77, %lt3A_78 : i32
      %convert_element_type3A_80 = arith.extui %lt3A_79 : i1 to i32
      %cond3A_81 = arith.constant 0 : i32
      %cond3A_82 = arith.cmpi ne, %convert_element_type3A_80, %cond3A_81 : i32
      scf.if %cond3A_82 {
        %add3A_83 = arith.constant 3 : i32
        %add3A_84 = arith.addi %mul3A_56, %add3A_83 : i32
        %dma_start3A_85 = arith.constant 0 : i32
        %dma_start3A_86 = tpu.memref_slice %arg7[%add3A_84, %dma_start3A_85] : memref<40x128xi32, #tpu.memory_space<vmem>> -> memref<1x128xi32, #tpu.memory_space<vmem>>
        %dma_start3A_87 = tpu.memref_squeeze %dma_start3A_86 : memref<1x128xi32, #tpu.memory_space<vmem>> -> memref<128xi32, #tpu.memory_space<vmem>>
        %dma_start3A_88 = arith.constant 0 : i32
        %dma_start3A_89 = arith.constant 0 : i32
        %dma_start3A_90 = tpu.memref_slice %arg2[%dma_start3A_88, %dma_start3A_89] : memref<10240x128xf32, #tpu.memory_space<hbm>> -> memref<10240x128xf32, #tpu.memory_space<hbm>>
        tpu.enqueue_indirect_dma source(%dma_start3A_90 : memref<10240x128xf32, #tpu.memory_space<hbm>>) target(%arg10 : memref<128x128xf32, #tpu.memory_space<vmem>>) offsets(%dma_start3A_87 : memref<128xi32, #tpu.memory_space<vmem>>) semaphore(%arg12 : memref<!tpu.dma_semaphore, #tpu.memory_space<semaphore_mem>>)
      } else {
      }
    }
    %scan3A_44 = arith.constant 20 : i32
    %barrier3A_45 = arith.constant 0 : index
    tpu.barrier barrier_id(%barrier3A_45)
    %mul3A_46 = arith.constant 640 : i32
    %mul3A_47 = arith.muli %arg1, %mul3A_46 : i32
    %mul3A_48 = arith.constant 640 : i32
    %mul3A_49 = arith.muli %arg1, %mul3A_48 : i32
    "tpu.region"() ({
      %run_scoped3A = tpu.sem_alloc : memref<!tpu.dma_semaphore, #tpu.memory_space<semaphore_mem>>
      %dma_start3A_50 = arith.constant 0 : i32
      %dma_start3A_51 = tpu.memref_slice %arg5[%arg0, %mul3A_49, %dma_start3A_50] : memref<2x10240x128xf32, #tpu.memory_space<hbm>> -> memref<1x640x128xf32, #tpu.memory_space<hbm>>
      %dma_start3A_52 = tpu.memref_squeeze %dma_start3A_51 : memref<1x640x128xf32, #tpu.memory_space<hbm>> -> memref<640x128xf32, #tpu.memory_space<hbm>>
      %dma_start3A_53 = arith.constant 0 : i32
      %dma_start3A_54 = tpu.memref_slice %arg6[%mul3A_47, %dma_start3A_53] : memref<10240x128xf32, #tpu.memory_space<vmem_shared>> -> memref<640x128xf32, #tpu.memory_space<vmem_shared>>
      tpu.enqueue_dma source(%dma_start3A_54 : memref<640x128xf32, #tpu.memory_space<vmem_shared>>) target(%dma_start3A_52 : memref<640x128xf32, #tpu.memory_space<hbm>>) target_semaphore(%run_scoped3A : memref<!tpu.dma_semaphore, #tpu.memory_space<semaphore_mem>>)
      %dma_wait3A = arith.constant 0 : i32
      %dma_wait3A_55 = tpu.memref_slice %arg5[%arg0, %mul3A_49, %dma_wait3A] : memref<2x10240x128xf32, #tpu.memory_space<hbm>> -> memref<1x640x128xf32, #tpu.memory_space<hbm>>
      %dma_wait3A_56 = tpu.memref_squeeze %dma_wait3A_55 : memref<1x640x128xf32, #tpu.memory_space<hbm>> -> memref<640x128xf32, #tpu.memory_space<hbm>>
      %dma_wait3A_57 = arith.constant 0 : i32
      %dma_wait3A_58 = tpu.memref_slice %arg6[%mul3A_47, %dma_wait3A_57] : memref<10240x128xf32, #tpu.memory_space<vmem_shared>> -> memref<640x128xf32, #tpu.memory_space<vmem_shared>>
      tpu.wait_dma2 semaphore(%run_scoped3A : memref<!tpu.dma_semaphore, #tpu.memory_space<semaphore_mem>>) src(%dma_wait3A_58 : memref<640x128xf32, #tpu.memory_space<vmem_shared>>) dst(%dma_wait3A_56 : memref<640x128xf32, #tpu.memory_space<hbm>>)
      tpu.yield
    }) : () -> ()
    return
  }
}

module attributes {stable_mosaic.version = 14 : i64} {
  func.func @_mm_scale_body(%arg0: i32, %arg1: memref<1024x128xf32, #tpu.memory_space<vmem>>, %arg2: memref<128x128xf32, #tpu.memory_space<vmem>>, %arg3: memref<2x1024x16xf32, #tpu.memory_space<vmem>>, %arg4: memref<1024x128xf32, #tpu.memory_space<vmem>>) attributes {dimension_semantics = [#tpu.dimension_semantics<arbitrary>], iteration_bounds = array<i64: 10>, scalar_prefetch = 0 : i64, scratch_operands = 0 : i64, tpu.core_type = #tpu.core_type<tc>, window_params = [{transform_indices = @transform_0, window_bounds = array<i64: 1024, 128>}, {pipeline_mode = #tpu.pipeline_mode<synchronous>, transform_indices = @transform_1, window_bounds = array<i64: 128, 128>}, {transform_indices = @transform_2, window_bounds = array<i64: 2, 1024, 16>}, {transform_indices = @transform_3, window_bounds = array<i64: 1024, 128>}]} {
    %get3A = arith.constant 0 : index
    %get3A_0 = arith.constant 0 : index
    %get3A_1 = vector.load %arg1[%get3A, %get3A_0] : memref<1024x128xf32, #tpu.memory_space<vmem>>, vector<1024x128xf32>
    %get3A_2 = arith.constant 0 : index
    %get3A_3 = arith.constant 0 : index
    %get3A_4 = vector.load %arg2[%get3A_2, %get3A_3] : memref<128x128xf32, #tpu.memory_space<vmem>>, vector<128x128xf32>
    %dot_general3A = arith.constant dense<0.000000e+00> : vector<1024x128xf32>
    %dot_general3A_5 = tpu.matmul %get3A_1, %get3A_4, %dot_general3A {dimension_numbers = #tpu.dot_dimension_numbers<[1], [0], [0], [1], [0, 0, 1, 1], [], []>, transpose_lhs_hint = false} : vector<1024x128xf32>, vector<128x128xf32>, vector<1024x128xf32> -> vector<1024x128xf32>
    %get3A_6 = arith.constant 0 : index
    %get3A_7 = arith.constant 0 : index
    %get3A_8 = arith.constant 0 : index
    %get3A_9 = vector.load %arg3[%get3A_6, %get3A_7, %get3A_8] : memref<2x1024x16xf32, #tpu.memory_space<vmem>>, vector<1x1024x16xf32>
    %get3A_10 = vector.shape_cast %get3A_9 : vector<1x1024x16xf32> to vector<1024x16xf32>
    %get3A_11 = arith.constant 1 : index
    %get3A_12 = arith.constant 0 : index
    %get3A_13 = arith.constant 0 : index
    %get3A_14 = vector.load %arg3[%get3A_11, %get3A_12, %get3A_13] : memref<2x1024x16xf32, #tpu.memory_space<vmem>>, vector<1x1024x16xf32>
    %get3A_15 = vector.shape_cast %get3A_14 : vector<1x1024x16xf32> to vector<1024x16xf32>
    %add3A = arith.addf %get3A_10, %get3A_15 : vector<1024x16xf32>
    %slice3A = vector.extract_strided_slice %add3A {offsets = [0, 0], sizes = [1024, 1], strides = [1, 1]} : vector<1024x16xf32> to vector<1024x1xf32>
    %rsqrt3A = math.rsqrt %slice3A : vector<1024x1xf32>
    %mul3A = vector.broadcast %rsqrt3A : vector<1024x1xf32> to vector<1024x128xf32>
    %mul3A_16 = arith.mulf %dot_general3A_5, %mul3A : vector<1024x128xf32>
    %swap3A = arith.constant 0 : index
    %swap3A_17 = arith.constant 0 : index
    %swap3A_18 = vector.load %arg4[%swap3A, %swap3A_17] : memref<1024x128xf32, #tpu.memory_space<vmem>>, vector<1024x128xf32>
    tpu.vector_store %arg4[%swap3A, %swap3A_17], %mul3A_16 {strides = array<i32>} : memref<1024x128xf32, #tpu.memory_space<vmem>>, vector<1024x128xf32>,
    return
  }
  func.func @transform_0(%arg0: i32) -> (i32, i32) {
    %c0_i32 = arith.constant 0 : i32
    %c0_i32_0 = arith.constant 0 : i32
    return %arg0, %c0_i32 : i32, i32
  }
  func.func @transform_1(%arg0: i32) -> (i32, i32) {
    %c0_i32 = arith.constant 0 : i32
    %c0_i32_0 = arith.constant 0 : i32
    %c0_i32_1 = arith.constant 0 : i32
    return %c0_i32, %c0_i32_0 : i32, i32
  }
  func.func @transform_2(%arg0: i32) -> (i32, i32, i32) {
    %c0_i32 = arith.constant 0 : i32
    %c0_i32_0 = arith.constant 0 : i32
    %c0_i32_1 = arith.constant 0 : i32
    return %c0_i32, %arg0, %c0_i32_0 : i32, i32, i32
  }
  func.func @transform_3(%arg0: i32) -> (i32, i32) {
    %c0_i32 = arith.constant 0 : i32
    %c0_i32_0 = arith.constant 0 : i32
    return %arg0, %c0_i32 : i32, i32
  }
}

module attributes {stable_mosaic.version = 14 : i64} {
  func.func @_combine_lsm_body(%arg0: i32, %arg1: memref<2x1000x128xf32, #tpu.memory_space<vmem>>, %arg2: memref<2x1000x16xf32, #tpu.memory_space<vmem>>, %arg3: memref<8x128xf32, #tpu.memory_space<vmem>>, %arg4: memref<1000x128xf32, #tpu.memory_space<vmem>>) attributes {dimension_semantics = [#tpu.dimension_semantics<arbitrary>], iteration_bounds = array<i64: 10>, scalar_prefetch = 0 : i64, scratch_operands = 0 : i64, tpu.core_type = #tpu.core_type<tc>, window_params = [{transform_indices = @transform_0, window_bounds = array<i64: 2, 1000, 128>}, {transform_indices = @transform_1, window_bounds = array<i64: 2, 1000, 16>}, {pipeline_mode = #tpu.pipeline_mode<synchronous>, transform_indices = @transform_2, window_bounds = array<i64: 8, 128>}, {transform_indices = @transform_3, window_bounds = array<i64: 1000, 128>}]} {
    %get3A = arith.constant 0 : index
    %get3A_0 = arith.constant 0 : index
    %get3A_1 = arith.constant 0 : index
    %get3A_2 = vector.load %arg1[%get3A, %get3A_0, %get3A_1] : memref<2x1000x128xf32, #tpu.memory_space<vmem>>, vector<1x1000x128xf32>
    %get3A_3 = vector.shape_cast %get3A_2 : vector<1x1000x128xf32> to vector<1000x128xf32>
    %get3A_4 = arith.constant 1 : index
    %get3A_5 = arith.constant 0 : index
    %get3A_6 = arith.constant 0 : index
    %get3A_7 = vector.load %arg1[%get3A_4, %get3A_5, %get3A_6] : memref<2x1000x128xf32, #tpu.memory_space<vmem>>, vector<1x1000x128xf32>
    %get3A_8 = vector.shape_cast %get3A_7 : vector<1x1000x128xf32> to vector<1000x128xf32>
    %add3A = arith.addf %get3A_3, %get3A_8 : vector<1000x128xf32>
    %get3A_9 = arith.constant 0 : index
    %get3A_10 = arith.constant 0 : index
    %get3A_11 = arith.constant 0 : index
    %get3A_12 = vector.load %arg2[%get3A_9, %get3A_10, %get3A_11] : memref<2x1000x16xf32, #tpu.memory_space<vmem>>, vector<1x1000x16xf32>
    %get3A_13 = vector.shape_cast %get3A_12 : vector<1x1000x16xf32> to vector<1000x16xf32>
    %get3A_14 = arith.constant 1 : index
    %get3A_15 = arith.constant 0 : index
    %get3A_16 = arith.constant 0 : index
    %get3A_17 = vector.load %arg2[%get3A_14, %get3A_15, %get3A_16] : memref<2x1000x16xf32, #tpu.memory_space<vmem>>, vector<1x1000x16xf32>
    %get3A_18 = vector.shape_cast %get3A_17 : vector<1x1000x16xf32> to vector<1000x16xf32>
    %add3A_19 = arith.addf %get3A_13, %get3A_18 : vector<1000x16xf32>
    %slice3A = vector.extract_strided_slice %add3A_19 {offsets = [0, 0], sizes = [1000, 1], strides = [1, 1]} : vector<1000x16xf32> to vector<1000x1xf32>
    %rsqrt3A = math.rsqrt %slice3A : vector<1000x1xf32>
    %mul3A = vector.broadcast %rsqrt3A : vector<1000x1xf32> to vector<1000x128xf32>
    %mul3A_20 = arith.mulf %add3A, %mul3A : vector<1000x128xf32>
    %get3A_21 = arith.constant 0 : index
    %get3A_22 = arith.constant 0 : index
    %get3A_23 = vector.load %arg3[%get3A_21, %get3A_22] : memref<8x128xf32, #tpu.memory_space<vmem>>, vector<1x128xf32>
    %add3A_24 = vector.broadcast %get3A_23 : vector<1x128xf32> to vector<1000x128xf32>
    %add3A_25 = arith.addf %mul3A_20, %add3A_24 : vector<1000x128xf32>
    %reduce_max3A = arith.constant dense<0xFF800000> : vector<1000xf32>
    %reduce_max3A_26 = vector.multi_reduction <maximumf>, %add3A_25, %reduce_max3A [1] : vector<1000x128xf32> to vector<1000xf32>
    %broadcast_in_dim3A = vector.shape_cast %reduce_max3A_26 : vector<1000xf32> to vector<1000x1xf32>
    %sub3A = vector.broadcast %broadcast_in_dim3A : vector<1000x1xf32> to vector<1000x128xf32>
    %sub3A_27 = arith.subf %add3A_25, %sub3A : vector<1000x128xf32>
    %exp3A = math.exp %sub3A_27 : vector<1000x128xf32>
    %reduce_sum3A = arith.constant dense<0.000000e+00> : vector<1000xf32>
    %reduce_sum3A_28 = vector.multi_reduction <add>, %exp3A, %reduce_sum3A [1] : vector<1000x128xf32> to vector<1000xf32>
    %broadcast_in_dim3A_29 = vector.shape_cast %reduce_sum3A_28 : vector<1000xf32> to vector<1000x1xf32>
    %log3A = math.log %broadcast_in_dim3A_29 : vector<1000x1xf32>
    %sub3A_30 = vector.broadcast %log3A : vector<1000x1xf32> to vector<1000x128xf32>
    %sub3A_31 = arith.subf %sub3A_27, %sub3A_30 : vector<1000x128xf32>
    %swap3A = arith.constant 0 : index
    %swap3A_32 = arith.constant 0 : index
    %swap3A_33 = vector.load %arg4[%swap3A, %swap3A_32] : memref<1000x128xf32, #tpu.memory_space<vmem>>, vector<1000x128xf32>
    tpu.vector_store %arg4[%swap3A, %swap3A_32], %sub3A_31 {strides = array<i32>} : memref<1000x128xf32, #tpu.memory_space<vmem>>, vector<1000x128xf32>,
    return
  }
  func.func @transform_0(%arg0: i32) -> (i32, i32, i32) {
    %c0_i32 = arith.constant 0 : i32
    %c0_i32_0 = arith.constant 0 : i32
    %c0_i32_1 = arith.constant 0 : i32
    return %c0_i32, %arg0, %c0_i32_0 : i32, i32, i32
  }
  func.func @transform_1(%arg0: i32) -> (i32, i32, i32) {
    %c0_i32 = arith.constant 0 : i32
    %c0_i32_0 = arith.constant 0 : i32
    %c0_i32_1 = arith.constant 0 : i32
    return %c0_i32, %arg0, %c0_i32_0 : i32, i32, i32
  }
  func.func @transform_2(%arg0: i32) -> (i32, i32) {
    %c0_i32 = arith.constant 0 : i32
    %c0_i32_0 = arith.constant 0 : i32
    %c0_i32_1 = arith.constant 0 : i32
    return %c0_i32, %c0_i32_0 : i32, i32
  }
  func.func @transform_3(%arg0: i32) -> (i32, i32) {
    %c0_i32 = arith.constant 0 : i32
    %c0_i32_0 = arith.constant 0 : i32
    return %arg0, %c0_i32 : i32, i32
  }
}

module attributes {stable_mosaic.version = 14 : i64} {
  func.func @_combine_mm_body(%arg0: i32, %arg1: memref<2x1024x128xf32, #tpu.memory_space<vmem>>, %arg2: memref<2x1024x16xf32, #tpu.memory_space<vmem>>, %arg3: memref<8x128xf32, #tpu.memory_space<vmem>>, %arg4: memref<128x128xf32, #tpu.memory_space<vmem>>, %arg5: memref<1024x128xf32, #tpu.memory_space<vmem>>) attributes {dimension_semantics = [#tpu.dimension_semantics<arbitrary>], iteration_bounds = array<i64: 10>, scalar_prefetch = 0 : i64, scratch_operands = 0 : i64, tpu.core_type = #tpu.core_type<tc>, window_params = [{transform_indices = @transform_0, window_bounds = array<i64: 2, 1024, 128>}, {transform_indices = @transform_1, window_bounds = array<i64: 2, 1024, 16>}, {pipeline_mode = #tpu.pipeline_mode<synchronous>, transform_indices = @transform_2, window_bounds = array<i64: 8, 128>}, {pipeline_mode = #tpu.pipeline_mode<synchronous>, transform_indices = @transform_3, window_bounds = array<i64: 128, 128>}, {transform_indices = @transform_4, window_bounds = array<i64: 1024, 128>}]} {
    %get3A = arith.constant 0 : index
    %get3A_0 = arith.constant 0 : index
    %get3A_1 = arith.constant 0 : index
    %get3A_2 = vector.load %arg2[%get3A, %get3A_0, %get3A_1] : memref<2x1024x16xf32, #tpu.memory_space<vmem>>, vector<1x1024x16xf32>
    %get3A_3 = vector.shape_cast %get3A_2 : vector<1x1024x16xf32> to vector<1024x16xf32>
    %get3A_4 = arith.constant 1 : index
    %get3A_5 = arith.constant 0 : index
    %get3A_6 = arith.constant 0 : index
    %get3A_7 = vector.load %arg2[%get3A_4, %get3A_5, %get3A_6] : memref<2x1024x16xf32, #tpu.memory_space<vmem>>, vector<1x1024x16xf32>
    %get3A_8 = vector.shape_cast %get3A_7 : vector<1x1024x16xf32> to vector<1024x16xf32>
    %add3A = arith.addf %get3A_3, %get3A_8 : vector<1024x16xf32>
    %slice3A = vector.extract_strided_slice %add3A {offsets = [0, 0], sizes = [1024, 1], strides = [1, 1]} : vector<1024x16xf32> to vector<1024x1xf32>
    %rsqrt3A = math.rsqrt %slice3A : vector<1024x1xf32>
    %get3A_9 = arith.constant 0 : index
    %get3A_10 = arith.constant 0 : index
    %get3A_11 = arith.constant 0 : index
    %get3A_12 = vector.load %arg1[%get3A_9, %get3A_10, %get3A_11] : memref<2x1024x128xf32, #tpu.memory_space<vmem>>, vector<1x1024x128xf32>
    %get3A_13 = vector.shape_cast %get3A_12 : vector<1x1024x128xf32> to vector<1024x128xf32>
    %get3A_14 = arith.constant 1 : index
    %get3A_15 = arith.constant 0 : index
    %get3A_16 = arith.constant 0 : index
    %get3A_17 = vector.load %arg1[%get3A_14, %get3A_15, %get3A_16] : memref<2x1024x128xf32, #tpu.memory_space<vmem>>, vector<1x1024x128xf32>
    %get3A_18 = vector.shape_cast %get3A_17 : vector<1x1024x128xf32> to vector<1024x128xf32>
    %add3A_19 = arith.addf %get3A_13, %get3A_18 : vector<1024x128xf32>
    %mul3A = vector.broadcast %rsqrt3A : vector<1024x1xf32> to vector<1024x128xf32>
    %mul3A_20 = arith.mulf %add3A_19, %mul3A : vector<1024x128xf32>
    %get3A_21 = arith.constant 0 : index
    %get3A_22 = arith.constant 0 : index
    %get3A_23 = vector.load %arg3[%get3A_21, %get3A_22] : memref<8x128xf32, #tpu.memory_space<vmem>>, vector<1x128xf32>
    %add3A_24 = vector.broadcast %get3A_23 : vector<1x128xf32> to vector<1024x128xf32>
    %add3A_25 = arith.addf %mul3A_20, %add3A_24 : vector<1024x128xf32>
    %max3A = arith.constant 0.000000e+00 : f32
    %max3A_26 = vector.broadcast %max3A : f32 to vector<1024x128xf32>
    %max3A_27 = arith.maximumf %add3A_25, %max3A_26 : vector<1024x128xf32>
    %get3A_28 = arith.constant 0 : index
    %get3A_29 = arith.constant 0 : index
    %get3A_30 = vector.load %arg4[%get3A_28, %get3A_29] : memref<128x128xf32, #tpu.memory_space<vmem>>, vector<128x128xf32>
    %dot_general3A = arith.constant dense<0.000000e+00> : vector<1024x128xf32>
    %dot_general3A_31 = tpu.matmul %max3A_27, %get3A_30, %dot_general3A {dimension_numbers = #tpu.dot_dimension_numbers<[1], [0], [0], [1], [0, 0, 1, 1], [], []>, transpose_lhs_hint = false} : vector<1024x128xf32>, vector<128x128xf32>, vector<1024x128xf32> -> vector<1024x128xf32>
    %mul3A_32 = vector.broadcast %rsqrt3A : vector<1024x1xf32> to vector<1024x128xf32>
    %mul3A_33 = arith.mulf %dot_general3A_31, %mul3A_32 : vector<1024x128xf32>
    %swap3A = arith.constant 0 : index
    %swap3A_34 = arith.constant 0 : index
    %swap3A_35 = vector.load %arg5[%swap3A, %swap3A_34] : memref<1024x128xf32, #tpu.memory_space<vmem>>, vector<1024x128xf32>
    tpu.vector_store %arg5[%swap3A, %swap3A_34], %mul3A_33 {strides = array<i32>} : memref<1024x128xf32, #tpu.memory_space<vmem>>, vector<1024x128xf32>,
    return
  }
  func.func @transform_0(%arg0: i32) -> (i32, i32, i32) {
    %c0_i32 = arith.constant 0 : i32
    %c0_i32_0 = arith.constant 0 : i32
    %c0_i32_1 = arith.constant 0 : i32
    return %c0_i32, %arg0, %c0_i32_0 : i32, i32, i32
  }
  func.func @transform_1(%arg0: i32) -> (i32, i32, i32) {
    %c0_i32 = arith.constant 0 : i32
    %c0_i32_0 = arith.constant 0 : i32
    %c0_i32_1 = arith.constant 0 : i32
    return %c0_i32, %arg0, %c0_i32_0 : i32, i32, i32
  }
  func.func @transform_2(%arg0: i32) -> (i32, i32) {
    %c0_i32 = arith.constant 0 : i32
    %c0_i32_0 = arith.constant 0 : i32
    %c0_i32_1 = arith.constant 0 : i32
    return %c0_i32, %c0_i32_0 : i32, i32
  }
  func.func @transform_3(%arg0: i32) -> (i32, i32) {
    %c0_i32 = arith.constant 0 : i32
    %c0_i32_0 = arith.constant 0 : i32
    %c0_i32_1 = arith.constant 0 : i32
    return %c0_i32, %c0_i32_0 : i32, i32
  }
  func.func @transform_4(%arg0: i32) -> (i32, i32) {
    %c0_i32 = arith.constant 0 : i32
    %c0_i32_0 = arith.constant 0 : i32
    return %arg0, %c0_i32 : i32, i32
  }
}

</mosaic_0001>

<sc_bundles>
// kernel: kernel.11.cloned.1.call-start
scs
__scs_entry_jumppad:
0x0: {  	(pc) =	sbr.rel $0x88, $3  }
0x1: {  	(tag) =	ssettag $0x0;
	lr =	simm.s32 $0x1  }
0x2: {  	[smem:$0x3F9B] =	sst lr;
	_ =	strace $0xD0000000  }
0x3: {  	_ = 	snop  }
0x4: {  	_ = 	snop  }
0x5: {  	_ = 	snop  }
0x6: {  	_ = 	snop  }
0x7: {  	_ = 	snop  }
__scs_overlays_trampoline_lowered:
0x8: {  	[smem:$0x3FAA] =	sst s0  }
0x9: {  	[smem:$0x3FAB] =	sst s1  }
0xa: {  	[smem:$0x3FAC] =	sst s2  }
0xb: {  	[smem:$0x3FAD] =	sst s3  }
0xc: {  	[smem:$0x3FAE] =	sst s4  }
0xd: {  	[smem:$0x3FAF] =	sst s5  }
0xe: {  	[smem:$0x3FB0] =	sst s6  }
0xf: {  	[smem:$0x3FB1] =	sst s7  }
0x10: {  	[smem:$0x3FB2] =	sst s8  }
0x11: {  	[smem:$0x3FB3] =	sst s9;
	s0 =	simm.s32 @!p0 $0x0  }
0x12: {  	s1 =	sld [smem:$0x3F99];
	s0 =	simm.s32 @p0 $0x1  }
0x13: {  	[smem:$0x3FB4] =	sst s0;
	s0 =	simm.s32 @!p1 $0x0  }
0x14: {  	s2 =	sld [smem:$0x3F98];
	s0 =	simm.s32 @p1 $0x1  }
0x15: {  	[smem:$0x3FB5] =	sst s0;
	s0 =	simm.s32 @!p2 $0x0  }
0x16: {  	s3 =	sld [smem:$0x3FDB];
	s0 =	simm.s32 @p2 $0x1  }
0x17: {  	s4 =	simm.s32 $0x1BF5;
	[smem:$0x3FB7] =	sst s0  }
0x18: {  	s0 =	sld [smem:$0x3F9A];
	_ =	swait.ge [sflag:s4], $0x0  }
0x19: {  	s7 =	sld [smem:$0x3F9B]  }
0x1a: {  	s8 =	sadd.s32 $0xFFFFE003, lr  }
0x1b: {  	s9 =	sadd.s32 $0xFFFFFEF7, lr;
	s5 =	simm.s32 $0xFFFFFFFF;
	p2 =	slt.u32 s8, $0xFFFFF086  }
0x1c: {  	p1 =	slt.u32 s9, $0xF7A;
	s5 =	simm.s32 @!p2 $0x0  }
0x1d: {  	s5 =	simm.s32 @p1 $0x1;
	p0 =	seq.s32 s7, s2  }
0x1e: {  	s7 =	smul.u32 @!p0 $0xF7A, s2;
	p2 =	seq.s32 @!p0 s5, $0x0  }
0x1f: {  	s9 =	smul.u32 $0xF7A, s1;
	s8 =	simm.s32 @!p0 $0x1BF5;
	p2 =	por !p2, p0  }
0x20: {  	[sflag:s8] =	ssyncset.s32 @!p0 $0xFFFFF086;
	s6 =	sadd.s32 @!p0 s3, s7;
	s7 =	simm.s32 @!p0 $0x108  }
0x21: {  	s3 =	sadd.s32 s3, s9;
	s6 =	sadd.s32 @!p0 $0x88, s6;
	s7 =	simm.s32 @p2 $0x1082  }
0x22: {  	[simem:s7], [sflag:s8] =	dma.local @!p0 [hbm:s6], $0xF7A  }
0x23: {  	s9 =	sor.u32 $0xD0000000, s2;
	s6 =	simm.s32 $0x108;
	_ =	swait.ge @!p0 [sflag:s8], $0x0  }
0x24: {  	s3 =	sadd.s32 $0x88, s3;
	s6 =	simm.s32 @!p1 $0x1082;
	[sflag:s4] =	ssyncset.s32 $0xFFFFF086  }
0x25: {  	[simem:s6], [sflag:s4] =	dma.local [hbm:s3], $0xF7A  }
0x26: {  	[smem:$0x3F9B] =	sst s1;
	(tag) =	ssettag s2;
	_ =	strace s9  }
0x27: {  	s1 =	sld [smem:$0x3FAB]  }
0x28: {  	s2 =	sld [smem:$0x3FAC]  }
0x29: {  	s4 =	sld [smem:$0x3FAE]  }
0x2a: {  	p0 =	seq.s32 s5, $0x0;
	s5 =	sld [smem:$0x3FAF]  }
0x2b: {  	s6 =	sld [smem:$0x3FB0]  }
0x2c: {  	s7 =	sld [smem:$0x3FB1]  }
0x2d: {  	s3 =	simm.s32 $0x108;
	s8 =	sld [smem:$0x3FB2]  }
0x2e: {  	s3 =	simm.s32 @!p0 $0x1082;
	s9 =	sld [smem:$0x3FB3]  }
0x2f: {  	lr =	sadd.s32 s0, s3;
	s0 =	sld [smem:$0x3FAA]  }
0x30: {  	s3 =	sld [smem:$0x3FAD]  }
0x31: {  	[smem:$0x3FB6] =	sst s10  }
0x32: {  	s10 =	sld [smem:$0x3FB4];
	_ =	sdelay $0x3  }
0x33: {  	p0 =	seq.s32 s10, $0x1;
	s10 =	sld [smem:$0x3FB6];
	_ =	sdelay $0x3  }
0x34: {  	[smem:$0x3FB6] =	sst s10  }
0x35: {  	s10 =	sld [smem:$0x3FB5];
	_ =	sdelay $0x3  }
0x36: {  	p1 =	seq.s32 s10, $0x1;
	s10 =	sld [smem:$0x3FB6];
	_ =	sdelay $0x3  }
0x37: {  	[smem:$0x3FB6] =	sst s10  }
0x38: {  	s10 =	sld [smem:$0x3FB7]  }
0x39: {  	_ = 	snop;
	(pc) =	sbr.ind lr, $3  }
0x3a: {  	_ = 	snop  }
0x3b: {  	_ = 	snop  }
0x3c: {  	p2 =	seq.s32 s10, $0x1;
	s10 =	sld [smem:$0x3FB6]  }
0x3d: {  	_ =	shalt  }
0x3e: {  	_ =	shalt  }
0x3f: {  	_ =	shalt  }
0x40: {  	_ =	shalt  }
0x41: {  	_ =	shalt  }
0x42: {  	_ =	shalt  }
0x43: {  	_ =	shalt  }
0x44: {  	_ =	shalt  }
0x45: {  	_ =	shalt  }
0x46: {  	_ =	shalt  }
0x47: {  	_ =	shalt  }
0x48: {  	_ =	shalt  }
0x49: {  	_ =	shalt  }
0x4a: {  	_ =	shalt  }
0x4b: {  	_ =	shalt  }
0x4c: {  	_ =	shalt  }
0x4d: {  	_ =	shalt  }
0x4e: {  	_ =	shalt  }
0x4f: {  	_ =	shalt  }
0x50: {  	_ =	shalt  }
0x51: {  	_ =	shalt  }
0x52: {  	_ =	shalt  }
0x53: {  	_ =	shalt  }
0x54: {  	_ =	shalt  }
0x55: {  	_ =	shalt  }
0x56: {  	_ =	shalt  }
0x57: {  	_ =	shalt  }
0x58: {  	_ =	shalt  }
0x59: {  	_ =	shalt  }
0x5a: {  	_ =	shalt  }
0x5b: {  	_ =	shalt  }
0x5c: {  	_ =	shalt  }
0x5d: {  	_ =	shalt  }
0x5e: {  	_ =	shalt  }
0x5f: {  	_ =	shalt  }
0x60: {  	_ =	shalt  }
0x61: {  	_ =	shalt  }
0x62: {  	_ =	shalt  }
0x63: {  	_ =	shalt  }
0x64: {  	_ =	shalt  }
0x65: {  	_ =	shalt  }
0x66: {  	_ =	shalt  }
0x67: {  	_ =	shalt  }
0x68: {  	_ =	shalt  }
0x69: {  	_ =	shalt  }
0x6a: {  	_ =	shalt  }
0x6b: {  	_ =	shalt  }
0x6c: {  	_ =	shalt  }
0x6d: {  	_ =	shalt  }
0x6e: {  	_ =	shalt  }
0x6f: {  	_ =	shalt  }
0x70: {  	_ =	shalt  }
0x71: {  	_ =	shalt  }
0x72: {  	_ =	shalt  }
0x73: {  	_ =	shalt  }
0x74: {  	_ =	shalt  }
0x75: {  	_ =	shalt  }
0x76: {  	_ =	shalt  }
0x77: {  	_ =	shalt  }
0x78: {  	_ =	shalt  }
0x79: {  	_ =	shalt  }
0x7a: {  	_ =	shalt  }
0x7b: {  	_ =	shalt  }
0x7c: {  	_ =	shalt  }
0x7d: {  	_ =	shalt  }
0x7e: {  	_ =	shalt  }
0x7f: {  	_ =	shalt  }
0x80: {  	_ =	shalt  }
0x81: {  	_ =	shalt  }
0x82: {  	_ =	shalt  }
0x83: {  	_ =	shalt  }
0x84: {  	_ =	shalt  }
0x85: {  	_ =	shalt  }
0x86: {  	_ =	shalt  }
0x87: {  	_ =	shalt  }
.Lfunc_end0:
.L_simem_size_0:
called_computation.1_lowered:
.L_overlay_start_0:
0x88: {  	s2 =	sld [smem:$0x3FD9]  }
0x89: {  	s3 =	sld [smem:$0x3FFE];
	_ =	sdelay $0x1  }
0x8a: {  	s1 =	srdreg.scid  }
0x8b: {  	s0 =	sand.u32 $0x1, s1  }
0x8c: {  	s17 =	sshll.u32 s0, $0xA;
	s2 =	sadd.s32 s3, s2  }
0x8d: {  	s2 =	sadd.s32 s2, s17  }
0x8e: {  	[smem:$0x3FC2] =	sst s2  }
0x8f: {  	_ = 	snop  }
0x90: {  	s2 =	sld [smem:$0x3FD0];
	(tm) =	ssettm $0x1  }
0x91: {  	s18 =	sld [smem:$0x3FFB];
	_ =	sdelay $0x3  }
0x92: {  	_ =	strace s18  }
0x93: {  	s3 =	sld [smem:$0x3FFC];
	_ =	sdelay $0x3  }
0x94: {  	_ =	strace s3  }
0x95: {  	s3 =	sld [smem:$0x3FFD];
	_ =	sdelay $0x3  }
0x96: {  	_ =	strace s3  }
0x97: {  	_ =	strace $0x8FFFFFFF  }
0x98: {  	s19 =	sld [smem:$0x3FDB];
	_ =	sdelay $0x1  }
0x99: {  	s4 =	simm.s32 $_scs_section_size  }
0x9a: {  	s5 =	simm.s32 $_size__tile_overlayer_lowered;
	s6 =	simm.s32 $_tile_overlayer_lowered  }
0x9b: {  	s22 =	simm.s32 $0x1BFF;
	s21 =	sshll.u32 s6, $0x1;
	s3 =	sadd.s32 s4, s19  }
0x9c: {  	s7 =	simm.s32 $0x0;
	s20 =	sshll.u32 s5, $0x1;
	s5 =	sadd.s32 s21, s3  }
0x9d: {  	[timem:s7], [sflag:s22] =	dma.local [hbm:s5], s20  }
0x9e: {  	_ =	swait.ge [sflag:s22], s20  }
0x9f: {  	s4 =	ssub.s32 $0x0, s20;
	[sflag:s22] =	ssyncset.done $0x0  }
0xa0: {  	[sflag:s22] =	ssyncadd.s32 s4;
	_ =	sdelay $0x1  }
0xa1: {  	s23 =	simm.s32 $0x1B8B  }
0xa2: {  	_ =	swait.ge [sflag:s23], $0x1  }
0xa3: {  	[sflag:s23] =	ssyncset.done $0x0  }
0xa4: {  	s25 =	simm.s32 $0x1B8E;
	s24 =	sld [smem:$0x3FFE];
	[sflag:s23] =	ssyncadd.s32 $0xFFFFFFFF  }
0xa5: {  	s26 =	simm.s32 $execute0_lowered;
	[smem:$0x3FD2] =	sst s25  }
0xa6: {  	s5 =	sshll.u32 s26, $0x1;
	_ =	strace $0x80000049;
	[dreg:$0x1] =	wrdreg $0xFFFFFFFF  }
0xa7: {  	s28 =	simm.s32 $_size_execute0_lowered;
	s3 =	sadd.s32 s3, s5;
	[dreg:$0x0] =	wrdreg $0x0  }
0xa8: {  	s5 =	sshll.u32 s28, $0x1;
	[dreg:$0x2] =	wrdreg s3  }
0xa9: {  	[dreg:$0x3] =	wrdreg s5  }
0xaa: {  	[dreg:$0x4] =	wrdreg $0xC0  }
0xab: {  	_ =	task [dreg:s7], $0x5FFFF  }
0xac: {  	[dreg:$0x1] =	wrdreg $0xFFFFFFFF  }
0xad: {  	[dreg:$0x0] =	wrdreg $0x60  }
0xae: {  	[dreg:$0x2] =	wrdreg s24  }
0xaf: {  	[dreg:$0x3] =	wrdreg s2  }
0xb0: {  	[dreg:$0x4] =	wrdreg $0x0  }
0xb1: {  	[dreg:$0x5] =	wrdreg $0x9  }
0xb2: {  	_ =	task.clear_ibuf [dreg:s7], $0x6FFFF;
	_ =	strace $0x90000049  }
0xb3: {  	s29 =	simm.s32 $0x9;
	_ =	strace $0x8000004B  }
0xb4: {  	_ =	swait.ge [sflag:s29], $0x1  }
0xb5: {  	[sflag:s29] =	ssyncadd.s32 $0xFFFFFFFF  }
0xb6: {  	_ =	strace $0x9000004B  }
0xb7: {  	_ =	sfence  }
0xb8: {  	s30 =	sld [smem:$0x0];
	_ =	sdelay $0x2  }
0xb9: {  	s31 =	sshll.u32 s1, $0xD;
	s1 =	sshrl.u32 s1, $0x2  }
0xba: {  	s3 =	sand.u32 $0x4000, s31;
	s1 =	sadd.s32 s1, s30  }
0xbb: {  	s0 =	sor.u32 s3, s0;
	s1 =	sshll.u32 s1, $0x11  }
0xbc: {  	s0 =	sor.u32 s1, s0  }
0xbd: {  	s0 =	sadd.s32 $0x8F2B, s0  }
0xbe: {  	[sflag:s0] =	ssyncadd.remote.s32 $0x1  }
0xbf: {  	_ =	sfence.sel $0xFFFF  }
0xc0: {  	[dreg:$0x0] =	wrdreg $0xFFFFFFFF;
	(pc) =	sbr.abs _section_cstart, $3  }
0xc1: {  	[dreg:$0x1] =	wrdreg $0xFFFFFFFF  }
0xc2: {  	_ =	task.clear_ibuf [dreg:s7], $0x2FFFF;
	_ =	strace $0x9FFFFFFF  }
0xc3: {  	(tm) =	ssettm $0x7FFFFFFF  }
tec
execute0_lowered:
.L_overlay_start_1:
0x0: {  	(tag) =	ssettag $0x1  }
0x1: {  	s5 =	rddreg [dreg:$0x0]  }
0x2: {  	s9 =	rddreg [dreg:$0x1]  }
0x3: {  	s2 =	rddreg [dreg:$0x2]  }
0x4: {  	s0 =	rddreg [dreg:$0x3]  }
0x5: {  	s3 =	simm.s32 $0x0;
	s4 =	srdreg.scid;
	s1 =	stileid.u32  }
0x6: {  	s15 =	simm.s32 $0x80;
	s16 =	simm.s32 $0x16800;
	s17 =	simm.s32 $0x14080  }
0x7: {  	s18 =	simm.s32 $0x1A800;
	s21 =	simm.s32 $0x1;
	s22 =	simm.s32 $0x2  }
0x8: {  	s23 =	simm.s32 $0x16700;
	s24 =	simm.s32 $0x16780;
	s25 =	simm.s32 $0x0  }
0x9: {  	[smem:$0x7FF] =	sst s3;
	s6 =	sand.u32 $0x1, s4;
	s7 =	smul.u32 $0x14000, s1  }
0xa: {  	s10 =	sshll.u32 s1, $0x1;
	s4 =	sadd.s32 $0x5CC00, s5;
	s11 =	sadd.s32 $0x2C00, s5  }
0xb: {  	s31 =	smul.u32 $0x50000, s1;
	s19 =	sshll.u32 s1, $0x6;
	_ =	strace $0x8000004A  }
0xc: {  	s8 =	smul.u32 $0x140000, s6;
	s10 =	sor.u32 s6, s10;
	s6 =	ssub.s32 $0x2, s6  }
0xd: {  	s19 =	sor.u32 $0x1C03, s19;
	s12 =	smul.u32 $0x500, s10;
	s13 =	sshrl.u32 s6, $0x1  }
0xe: {  	s10 =	smul.u32 $0x2800, s10;
	s8 =	sadd.s32 s7, s8;
	s13 =	ssub.s32 s6, s13  }
0xf: {  	s7 =	sshrl.u32 s7, $0x3;
	s8 =	sshrl.u32 s8, $0x3;
	s6 =	sadd.s32 s9, s12  }
0x10: {  	s10 =	sshrl.u32 s10, $0x3;
	s7 =	sadd.s32 s4, s7;
	s14 =	sadd.s32 s8, s5  }
0x11: {  	s5 =	sadd.s32 s11, s12;
	s8 =	sshrl.u32 s31, $0x2;
	s10 =	sadd.s32 $0x280, s10  }
0x12: {  	s12 =	simm.s32 $0x14000;
	s20 =	sadd.s32 s8, s2;
	s8 =	sadd.s32 s11, s10  }
0x13: {  	s9 =	sadd.s32 s9, s10;
	s10 =	sadd.s32 $0x84C00, s14;
	s11 =	smax.u32 s13, $0x1  }
0x14: {  	s13 =	simm.s32 $0x3;
	s14 =	simm.s32 $0x15400;
	s20 =	sshrl.u32 s20, $0x3  }
.LBB2_1:
0x15: {  	[tilespmem:s12], [sflag:$0x3] =	stream.linear.gather [hbm4b:s5+s3], $0x1400, $0x38;
	[tilespmem:$0x1E800] =	vst v63  }
0x16: {  	_ =	swait.ge [sflag:s13], $0x1400  }
0x17: {  	[sflag:s13] =	ssyncset.done $0x0  }
0x18: {  	[sflag:s13] =	ssyncadd.s32 $0xFFFFEC00  }
0x19: {  	[tilespmem:s14], [sflag:$0x3] =	stream.linear.gather [hbm4b:s6+s3], $0x1400, $0x38;
	[tilespmem:$0x1E800] =	vst v63  }
0x1a: {  	_ =	swait.ge [sflag:s13], $0x1400  }
0x1b: {  	[sflag:s13] =	ssyncset.done $0x0  }
0x1c: {  	[sflag:s13] =	ssyncadd.s32 $0xFFFFEC00  }
0x1d: {  	[tilespmem:s16], [sflag:$0x1] =	stream.indirect.gather [hbm4b:s4+s15], $0x80, s12, s15, $0xb8;
	[tilespmem:$0x1E800] =	vst v63  }
0x1e: {  	_ = 	snop  }
0x1f: {  	[tilespmem:s18], [sflag:$0x2] =	stream.indirect.gather [hbm4b:s4+s15], $0x80, s17, s15, $0xb8;
	[tilespmem:$0x1E800] =	vst v63  }
0x20: {  	[spmem:s20], [sflag:s19] =	dma.local [hbm:s7], $0x2800  }
0x21: {  	_ =	swait.ge [sflag:s13], $0x2800  }
0x22: {  	[sflag:s13] =	ssyncset.done $0x0  }
0x23: {  	[sflag:s13] =	ssyncadd.s32 $0xFFFFD800  }
0x24: {  	[bflag:$0x0] =	sbarrier.arrive $0xFFFF  }
0x25: {  	_ =	swait.ge [sflag:s21], $0x4000  }
0x26: {  	[sflag:s21] =	ssyncset.done $0x0  }
0x27: {  	s26 =	simm.s32 $0x15400;
	[sflag:s21] =	ssyncadd.s32 $0xFFFFC000  }
0x28: {  	[spmem:s2] =	stream.indirect.scatter.add.f32 [tilespmem:s16], [sflag:$0x3], $0x80, s26, s15, $0xb8;
	[tilespmem:$0x1E800] =	vst v63  }
0x29: {  	_ =	swait.ge [sflag:s13], $0x4000  }
0x2a: {  	[sflag:s13] =	ssyncset.done $0x0  }
0x2b: {  	s30 =	simm.s32 $0x14100;
	[sflag:s13] =	ssyncadd.s32 $0xFFFFC000  }
0x2c: {  	[tilespmem:s16], [sflag:$0x1] =	stream.indirect.gather [hbm4b:s4+s15], $0x80, s30, s15, $0xb8;
	[tilespmem:$0x1E800] =	vst v63  }
0x2d: {  	_ =	swait.ge [sflag:s22], $0x4000  }
0x2e: {  	[sflag:s22] =	ssyncset.done $0x0  }
0x2f: {  	s31 =	simm.s32 $0x15480;
	[sflag:s22] =	ssyncadd.s32 $0xFFFFC000  }
0x30: {  	[spmem:s2] =	stream.indirect.scatter.add.f32 [tilespmem:s18], [sflag:$0x3], $0x80, s31, s15, $0xb8;
	[tilespmem:$0x1E800] =	vst v63  }
0x31: {  	_ =	swait.ge [sflag:s13], $0x4000  }
0x32: {  	[sflag:s13] =	ssyncset.done $0x0  }
0x33: {  	s28 =	simm.s32 $0x14180;
	s26 =	simm.s32 $0x400;
	[sflag:s13] =	ssyncadd.s32 $0xFFFFC000  }
.LBB2_2:
0x34: {  	[tilespmem:s18], [sflag:$0x2] =	stream.indirect.gather [hbm4b:s4+s15], $0x80, s28, s15, $0xb8;
	[tilespmem:$0x1E800] =	vst v63  }
0x35: {  	s28 =	smov.u32 s26  }
0x36: {  	p0 =	sne.s32 s26, $0x4800;
	s26 =	sadd.s32 $0x400, s26;
	_ =	swait.ge [sflag:s21], $0x4000  }
0x37: {  	s28 =	sshra.s32 s28, $0x2;
	[sflag:s21] =	ssyncset.done $0x0  }
0x38: {  	s29 =	sadd.s32 $0x15400, s28;
	[sflag:s21] =	ssyncadd.s32 $0xFFFFC000  }
0x39: {  	[spmem:s2] =	stream.indirect.scatter.add.f32 [tilespmem:s16], [sflag:$0x3], $0x80, s29, s15, $0xb8;
	[tilespmem:$0x1E800] =	vst v63  }
0x3a: {  	_ =	swait.ge [sflag:s13], $0x4000  }
0x3b: {  	[sflag:s13] =	ssyncset.done $0x0  }
0x3c: {  	s29 =	sadd.s32 $0x14100, s28;
	[sflag:s13] =	ssyncadd.s32 $0xFFFFC000  }
0x3d: {  	[tilespmem:s16], [sflag:$0x1] =	stream.indirect.gather [hbm4b:s4+s15], $0x80, s29, s15, $0xb8;
	[tilespmem:$0x1E800] =	vst v63  }
0x3e: {  	_ =	swait.ge [sflag:s22], $0x4000  }
0x3f: {  	[sflag:s22] =	ssyncset.done $0x0  }
.Ltmp0:
0x40: {  	s29 =	sadd.s32 $0x15480, s28;
	[sflag:s22] =	ssyncadd.s32 $0xFFFFC000;
	(pc) =	sbr.rel @p0 .LBB2_2-.Ltmp0, $4  }
0x41: {  	[spmem:s2] =	stream.indirect.scatter.add.f32 [tilespmem:s18], [sflag:$0x3], $0x80, s29, s15, $0xb8;
	[tilespmem:$0x1E800] =	vst v63  }
0x42: {  	_ =	swait.ge [sflag:s13], $0x4000  }
0x43: {  	[sflag:s13] =	ssyncset.done $0x0  }
0x44: {  	s28 =	sadd.s32 $0x14180, s28;
	[sflag:s13] =	ssyncadd.s32 $0xFFFFC000  }
0x45: {  	[tilespmem:s18], [sflag:$0x2] =	stream.indirect.gather [hbm4b:s4+s15], $0x80, s28, s15, $0xb8;
	[tilespmem:$0x1E800] =	vst v63  }
0x46: {  	_ =	swait.ge [sflag:s21], $0x4000  }
0x47: {  	[sflag:s21] =	ssyncset.done $0x0  }
0x48: {  	[sflag:s21] =	ssyncadd.s32 $0xFFFFC000  }
0x49: {  	[spmem:s2] =	stream.indirect.scatter.add.f32 [tilespmem:s16], [sflag:$0x3], $0x80, s23, s15, $0xb8;
	[tilespmem:$0x1E800] =	vst v63  }
0x4a: {  	_ =	swait.ge [sflag:s13], $0x4000  }
0x4b: {  	[sflag:s13] =	ssyncset.done $0x0  }
0x4c: {  	[sflag:s13] =	ssyncadd.s32 $0xFFFFC000  }
0x4d: {  	_ =	swait.ge [sflag:s22], $0x4000  }
0x4e: {  	[sflag:s22] =	ssyncset.done $0x0  }
0x4f: {  	[sflag:s22] =	ssyncadd.s32 $0xFFFFC000  }
0x50: {  	[spmem:s2] =	stream.indirect.scatter.add.f32 [tilespmem:s18], [sflag:$0x3], $0x80, s24, s15, $0xb8;
	[tilespmem:$0x1E800] =	vst v63  }
0x51: {  	_ =	swait.ge [sflag:s13], $0x4000  }
0x52: {  	[sflag:s13] =	ssyncset.done $0x0  }
0x53: {  	s26 =	simm.s32 $0x0;
	[sflag:s13] =	ssyncadd.s32 $0xFFFFC000  }
0x54: {  	[tilespmem:s12], [sflag:$0x3] =	stream.linear.gather [hbm4b:s8+s26], $0x1400, $0x38;
	[tilespmem:$0x1E800] =	vst v63  }
0x55: {  	_ =	swait.ge [sflag:s13], $0x1400  }
0x56: {  	[sflag:s13] =	ssyncset.done $0x0  }
0x57: {  	[sflag:s13] =	ssyncadd.s32 $0xFFFFEC00  }
0x58: {  	[tilespmem:s14], [sflag:$0x3] =	stream.linear.gather [hbm4b:s9+s26], $0x1400, $0x38;
	[tilespmem:$0x1E800] =	vst v63  }
0x59: {  	_ =	swait.ge [sflag:s13], $0x1400  }
0x5a: {  	[sflag:s13] =	ssyncset.done $0x0  }
0x5b: {  	[sflag:s13] =	ssyncadd.s32 $0xFFFFEC00  }
0x5c: {  	[tilespmem:s16], [sflag:$0x1] =	stream.indirect.gather [hbm4b:s4+s15], $0x80, s12, s15, $0xb8;
	[tilespmem:$0x1E800] =	vst v63  }
0x5d: {  	_ = 	snop  }
0x5e: {  	[tilespmem:s18], [sflag:$0x2] =	stream.indirect.gather [hbm4b:s4+s15], $0x80, s17, s15, $0xb8;
	[tilespmem:$0x1E800] =	vst v63  }
0x5f: {  	_ =	swait.ge [sflag:s21], $0x4000  }
0x60: {  	[sflag:s21] =	ssyncset.done $0x0  }
0x61: {  	s29 =	simm.s32 $0x15400;
	[sflag:s21] =	ssyncadd.s32 $0xFFFFC000  }
0x62: {  	[spmem:s2] =	stream.indirect.scatter.add.f32 [tilespmem:s16], [sflag:$0x3], $0x80, s29, s15, $0xb8;
	[tilespmem:$0x1E800] =	vst v63  }
0x63: {  	_ =	swait.ge [sflag:s13], $0x4000  }
0x64: {  	[sflag:s13] =	ssyncset.done $0x0  }
0x65: {  	s30 =	simm.s32 $0x14100;
	[sflag:s13] =	ssyncadd.s32 $0xFFFFC000  }
0x66: {  	[tilespmem:s16], [sflag:$0x1] =	stream.indirect.gather [hbm4b:s4+s15], $0x80, s30, s15, $0xb8;
	[tilespmem:$0x1E800] =	vst v63  }
0x67: {  	_ =	swait.ge [sflag:s22], $0x4000  }
0x68: {  	[sflag:s22] =	ssyncset.done $0x0  }
0x69: {  	s31 =	simm.s32 $0x15480;
	[sflag:s22] =	ssyncadd.s32 $0xFFFFC000  }
0x6a: {  	[spmem:s2] =	stream.indirect.scatter.add.f32 [tilespmem:s18], [sflag:$0x3], $0x80, s31, s15, $0xb8;
	[tilespmem:$0x1E800] =	vst v63  }
0x6b: {  	_ =	swait.ge [sflag:s13], $0x4000  }
0x6c: {  	[sflag:s13] =	ssyncset.done $0x0  }
0x6d: {  	s28 =	simm.s32 $0x14180;
	s26 =	simm.s32 $0x400;
	[sflag:s13] =	ssyncadd.s32 $0xFFFFC000  }
.LBB2_4:
0x6e: {  	[tilespmem:s18], [sflag:$0x2] =	stream.indirect.gather [hbm4b:s4+s15], $0x80, s28, s15, $0xb8;
	[tilespmem:$0x1E800] =	vst v63  }
0x6f: {  	s28 =	smov.u32 s26  }
0x70: {  	p0 =	sne.s32 s26, $0x4800;
	s26 =	sadd.s32 $0x400, s26;
	_ =	swait.ge [sflag:s21], $0x4000  }
0x71: {  	s28 =	sshra.s32 s28, $0x2;
	[sflag:s21] =	ssyncset.done $0x0  }
0x72: {  	s29 =	sadd.s32 $0x15400, s28;
	[sflag:s21] =	ssyncadd.s32 $0xFFFFC000  }
0x73: {  	[spmem:s2] =	stream.indirect.scatter.add.f32 [tilespmem:s16], [sflag:$0x3], $0x80, s29, s15, $0xb8;
	[tilespmem:$0x1E800] =	vst v63  }
0x74: {  	_ =	swait.ge [sflag:s13], $0x4000  }
0x75: {  	[sflag:s13] =	ssyncset.done $0x0  }
0x76: {  	s29 =	sadd.s32 $0x14100, s28;
	[sflag:s13] =	ssyncadd.s32 $0xFFFFC000  }
0x77: {  	[tilespmem:s16], [sflag:$0x1] =	stream.indirect.gather [hbm4b:s4+s15], $0x80, s29, s15, $0xb8;
	[tilespmem:$0x1E800] =	vst v63  }
0x78: {  	_ =	swait.ge [sflag:s22], $0x4000  }
0x79: {  	[sflag:s22] =	ssyncset.done $0x0  }
.Ltmp1:
0x7a: {  	s29 =	sadd.s32 $0x15480, s28;
	[sflag:s22] =	ssyncadd.s32 $0xFFFFC000;
	(pc) =	sbr.rel @p0 .LBB2_4-.Ltmp1, $4  }
0x7b: {  	[spmem:s2] =	stream.indirect.scatter.add.f32 [tilespmem:s18], [sflag:$0x3], $0x80, s29, s15, $0xb8;
	[tilespmem:$0x1E800] =	vst v63  }
0x7c: {  	_ =	swait.ge [sflag:s13], $0x4000  }
0x7d: {  	[sflag:s13] =	ssyncset.done $0x0  }
0x7e: {  	s28 =	sadd.s32 $0x14180, s28;
	[sflag:s13] =	ssyncadd.s32 $0xFFFFC000  }
0x7f: {  	[tilespmem:s18], [sflag:$0x2] =	stream.indirect.gather [hbm4b:s4+s15], $0x80, s28, s15, $0xb8;
	[tilespmem:$0x1E800] =	vst v63  }
0x80: {  	_ =	swait.ge [sflag:s21], $0x4000  }
0x81: {  	[sflag:s21] =	ssyncset.done $0x0  }
0x82: {  	[sflag:s21] =	ssyncadd.s32 $0xFFFFC000  }
0x83: {  	[spmem:s2] =	stream.indirect.scatter.add.f32 [tilespmem:s16], [sflag:$0x3], $0x80, s23, s15, $0xb8;
	[tilespmem:$0x1E800] =	vst v63  }
0x84: {  	_ =	swait.ge [sflag:s13], $0x4000  }
0x85: {  	[sflag:s13] =	ssyncset.done $0x0  }
0x86: {  	[sflag:s13] =	ssyncadd.s32 $0xFFFFC000  }
0x87: {  	_ =	swait.ge [sflag:s22], $0x4000  }
0x88: {  	[sflag:s22] =	ssyncset.done $0x0  }
0x89: {  	[sflag:s22] =	ssyncadd.s32 $0xFFFFC000  }
0x8a: {  	[spmem:s2] =	stream.indirect.scatter.add.f32 [tilespmem:s18], [sflag:$0x3], $0x80, s24, s15, $0xb8;
	[tilespmem:$0x1E800] =	vst v63  }
0x8b: {  	_ =	swait.ge [sflag:s13], $0x4000  }
0x8c: {  	s25 =	sadd.s32 $0x1, s25;
	[sflag:s13] =	ssyncset.done $0x0  }
0x8d: {  	p0 =	sne.s32 s25, s11;
	[sflag:s13] =	ssyncadd.s32 $0xFFFFC000  }
.Ltmp2:
0x8e: {  	[bflag:$0x0] =	sbarrier.arrive $0xFFFF;
	(pc) =	sbr.rel @p0 .LBB2_1-.Ltmp2, $4  }
0x8f: {  	[hbm:s10], [sflag:s19] =	dma.local [spmem:s20], $0x2800  }
0x90: {  	_ =	swait.ge [sflag:s13], $0x2800  }
0x91: {  	[sflag:s13] =	ssyncset.done $0x0  }
0x92: {  	[sflag:s13] =	ssyncadd.s32 $0xFFFFD800  }
0x93: {  	_ =	sfence.sel $0x180000  }
0x94: {  	[bflag:$0x0] =	sbarrier.arrive $0xFFFF  }
0x95: {  	p0 =	sne.s32 s1, $0x0;
	_ =	strace $0x9000004A  }
0x96: {  	s0 =	sadd.s32 @!p0 $0x100000, s0;
	[bflag:$0x2] =	sbarrier.arrive $0xFFFF  }
0x97: {  	[sflag:s0] =	ssyncadd.tile.s32 @!p0 $0x1;
	_ =	shalt  }
.Lfunc_end2:
_tile_overlayer_lowered:
.L_overlay_start_2:
0x98: {  	(tag) =	ssettag $0x2  }
0x99: {  	s0 =	rddreg [dreg:$0x0];
	s2 =	stileid.u32  }
0x9a: {  	s1 =	rddreg [dreg:$0x1];
	p0 =	sne.s32 s2, $0x0  }
0x9b: {  	s3 =	rddreg [dreg:$0x2];
	[bflag:$0x3] =	sbarrier.arrive $0xFFFF;
	s2 =	simm.s32 @!p0 $0x1C03  }
0x9c: {  	[timem:s3], [sflag:s2] =	dma.local @!p0 [hbm:s0], s1  }
0x9d: {  	s0 =	simm.s32 @!p0 $0x3  }
0x9e: {  	_ =	swait.ge @!p0 [sflag:s0], s1  }
0x9f: {  	s1 =	ssub.s32 @!p0 $0x0, s1;
	[sflag:s0] =	ssyncset.done @!p0 $0x0  }
0xa0: {  	[sflag:s0] =	ssyncadd.s32 @!p0 s1  }
0xa1: {  	[bflag:$0x3] =	sbarrier.arrive $0xFFFF  }
0xa2: {  	_ =	shalt  }

// kernel: kernel.14.cloned.1.call-start
scs
__scs_entry_jumppad:
0x0: {  	(pc) =	sbr.rel $0x88, $3  }
0x1: {  	(tag) =	ssettag $0x0;
	lr =	simm.s32 $0x1  }
0x2: {  	[smem:$0x3F9B] =	sst lr;
	_ =	strace $0xD0000000  }
0x3: {  	_ = 	snop  }
0x4: {  	_ = 	snop  }
0x5: {  	_ = 	snop  }
0x6: {  	_ = 	snop  }
0x7: {  	_ = 	snop  }
__scs_overlays_trampoline_lowered:
0x8: {  	[smem:$0x3FAA] =	sst s0  }
0x9: {  	[smem:$0x3FAB] =	sst s1  }
0xa: {  	[smem:$0x3FAC] =	sst s2  }
0xb: {  	[smem:$0x3FAD] =	sst s3  }
0xc: {  	[smem:$0x3FAE] =	sst s4  }
0xd: {  	[smem:$0x3FAF] =	sst s5  }
0xe: {  	[smem:$0x3FB0] =	sst s6  }
0xf: {  	[smem:$0x3FB1] =	sst s7  }
0x10: {  	[smem:$0x3FB2] =	sst s8  }
0x11: {  	[smem:$0x3FB3] =	sst s9;
	s0 =	simm.s32 @!p0 $0x0  }
0x12: {  	s1 =	sld [smem:$0x3F99];
	s0 =	simm.s32 @p0 $0x1  }
0x13: {  	[smem:$0x3FB4] =	sst s0;
	s0 =	simm.s32 @!p1 $0x0  }
0x14: {  	s2 =	sld [smem:$0x3F98];
	s0 =	simm.s32 @p1 $0x1  }
0x15: {  	[smem:$0x3FB5] =	sst s0;
	s0 =	simm.s32 @!p2 $0x0  }
0x16: {  	s3 =	sld [smem:$0x3FDB];
	s0 =	simm.s32 @p2 $0x1  }
0x17: {  	s4 =	simm.s32 $0x1BF5;
	[smem:$0x3FB7] =	sst s0  }
0x18: {  	s0 =	sld [smem:$0x3F9A];
	_ =	swait.ge [sflag:s4], $0x0  }
0x19: {  	s7 =	sld [smem:$0x3F9B]  }
0x1a: {  	s8 =	sadd.s32 $0xFFFFE003, lr  }
0x1b: {  	s9 =	sadd.s32 $0xFFFFFEF7, lr;
	s5 =	simm.s32 $0xFFFFFFFF;
	p2 =	slt.u32 s8, $0xFFFFF086  }
0x1c: {  	p1 =	slt.u32 s9, $0xF7A;
	s5 =	simm.s32 @!p2 $0x0  }
0x1d: {  	s5 =	simm.s32 @p1 $0x1;
	p0 =	seq.s32 s7, s2  }
0x1e: {  	s7 =	smul.u32 @!p0 $0xF7A, s2;
	p2 =	seq.s32 @!p0 s5, $0x0  }
0x1f: {  	s9 =	smul.u32 $0xF7A, s1;
	s8 =	simm.s32 @!p0 $0x1BF5;
	p2 =	por !p2, p0  }
0x20: {  	[sflag:s8] =	ssyncset.s32 @!p0 $0xFFFFF086;
	s6 =	sadd.s32 @!p0 s3, s7;
	s7 =	simm.s32 @!p0 $0x108  }
0x21: {  	s3 =	sadd.s32 s3, s9;
	s6 =	sadd.s32 @!p0 $0x88, s6;
	s7 =	simm.s32 @p2 $0x1082  }
0x22: {  	[simem:s7], [sflag:s8] =	dma.local @!p0 [hbm:s6], $0xF7A  }
0x23: {  	s9 =	sor.u32 $0xD0000000, s2;
	s6 =	simm.s32 $0x108;
	_ =	swait.ge @!p0 [sflag:s8], $0x0  }
0x24: {  	s3 =	sadd.s32 $0x88, s3;
	s6 =	simm.s32 @!p1 $0x1082;
	[sflag:s4] =	ssyncset.s32 $0xFFFFF086  }
0x25: {  	[simem:s6], [sflag:s4] =	dma.local [hbm:s3], $0xF7A  }
0x26: {  	[smem:$0x3F9B] =	sst s1;
	(tag) =	ssettag s2;
	_ =	strace s9  }
0x27: {  	s1 =	sld [smem:$0x3FAB]  }
0x28: {  	s2 =	sld [smem:$0x3FAC]  }
0x29: {  	s4 =	sld [smem:$0x3FAE]  }
0x2a: {  	p0 =	seq.s32 s5, $0x0;
	s5 =	sld [smem:$0x3FAF]  }
0x2b: {  	s6 =	sld [smem:$0x3FB0]  }
0x2c: {  	s7 =	sld [smem:$0x3FB1]  }
0x2d: {  	s3 =	simm.s32 $0x108;
	s8 =	sld [smem:$0x3FB2]  }
0x2e: {  	s3 =	simm.s32 @!p0 $0x1082;
	s9 =	sld [smem:$0x3FB3]  }
0x2f: {  	lr =	sadd.s32 s0, s3;
	s0 =	sld [smem:$0x3FAA]  }
0x30: {  	s3 =	sld [smem:$0x3FAD]  }
0x31: {  	[smem:$0x3FB6] =	sst s10  }
0x32: {  	s10 =	sld [smem:$0x3FB4];
	_ =	sdelay $0x3  }
0x33: {  	p0 =	seq.s32 s10, $0x1;
	s10 =	sld [smem:$0x3FB6];
	_ =	sdelay $0x3  }
0x34: {  	[smem:$0x3FB6] =	sst s10  }
0x35: {  	s10 =	sld [smem:$0x3FB5];
	_ =	sdelay $0x3  }
0x36: {  	p1 =	seq.s32 s10, $0x1;
	s10 =	sld [smem:$0x3FB6];
	_ =	sdelay $0x3  }
0x37: {  	[smem:$0x3FB6] =	sst s10  }
0x38: {  	s10 =	sld [smem:$0x3FB7]  }
0x39: {  	_ = 	snop;
	(pc) =	sbr.ind lr, $3  }
0x3a: {  	_ = 	snop  }
0x3b: {  	_ = 	snop  }
0x3c: {  	p2 =	seq.s32 s10, $0x1;
	s10 =	sld [smem:$0x3FB6]  }
0x3d: {  	_ =	shalt  }
0x3e: {  	_ =	shalt  }
0x3f: {  	_ =	shalt  }
0x40: {  	_ =	shalt  }
0x41: {  	_ =	shalt  }
0x42: {  	_ =	shalt  }
0x43: {  	_ =	shalt  }
0x44: {  	_ =	shalt  }
0x45: {  	_ =	shalt  }
0x46: {  	_ =	shalt  }
0x47: {  	_ =	shalt  }
0x48: {  	_ =	shalt  }
0x49: {  	_ =	shalt  }
0x4a: {  	_ =	shalt  }
0x4b: {  	_ =	shalt  }
0x4c: {  	_ =	shalt  }
0x4d: {  	_ =	shalt  }
0x4e: {  	_ =	shalt  }
0x4f: {  	_ =	shalt  }
0x50: {  	_ =	shalt  }
0x51: {  	_ =	shalt  }
0x52: {  	_ =	shalt  }
0x53: {  	_ =	shalt  }
0x54: {  	_ =	shalt  }
0x55: {  	_ =	shalt  }
0x56: {  	_ =	shalt  }
0x57: {  	_ =	shalt  }
0x58: {  	_ =	shalt  }
0x59: {  	_ =	shalt  }
0x5a: {  	_ =	shalt  }
0x5b: {  	_ =	shalt  }
0x5c: {  	_ =	shalt  }
0x5d: {  	_ =	shalt  }
0x5e: {  	_ =	shalt  }
0x5f: {  	_ =	shalt  }
0x60: {  	_ =	shalt  }
0x61: {  	_ =	shalt  }
0x62: {  	_ =	shalt  }
0x63: {  	_ =	shalt  }
0x64: {  	_ =	shalt  }
0x65: {  	_ =	shalt  }
0x66: {  	_ =	shalt  }
0x67: {  	_ =	shalt  }
0x68: {  	_ =	shalt  }
0x69: {  	_ =	shalt  }
0x6a: {  	_ =	shalt  }
0x6b: {  	_ =	shalt  }
0x6c: {  	_ =	shalt  }
0x6d: {  	_ =	shalt  }
0x6e: {  	_ =	shalt  }
0x6f: {  	_ =	shalt  }
0x70: {  	_ =	shalt  }
0x71: {  	_ =	shalt  }
0x72: {  	_ =	shalt  }
0x73: {  	_ =	shalt  }
0x74: {  	_ =	shalt  }
0x75: {  	_ =	shalt  }
0x76: {  	_ =	shalt  }
0x77: {  	_ =	shalt  }
0x78: {  	_ =	shalt  }
0x79: {  	_ =	shalt  }
0x7a: {  	_ =	shalt  }
0x7b: {  	_ =	shalt  }
0x7c: {  	_ =	shalt  }
0x7d: {  	_ =	shalt  }
0x7e: {  	_ =	shalt  }
0x7f: {  	_ =	shalt  }
0x80: {  	_ =	shalt  }
0x81: {  	_ =	shalt  }
0x82: {  	_ =	shalt  }
0x83: {  	_ =	shalt  }
0x84: {  	_ =	shalt  }
0x85: {  	_ =	shalt  }
0x86: {  	_ =	shalt  }
0x87: {  	_ =	shalt  }
.Lfunc_end0:
.L_simem_size_0:
called_computation.2_lowered:
.L_overlay_start_0:
0x88: {  	s2 =	sld [smem:$0x3FD9]  }
0x89: {  	s3 =	sld [smem:$0x3FFE];
	_ =	sdelay $0x1  }
0x8a: {  	s1 =	srdreg.scid  }
0x8b: {  	s0 =	sand.u32 $0x1, s1  }
0x8c: {  	s17 =	sshll.u32 s0, $0xA;
	s2 =	sadd.s32 s3, s2  }
0x8d: {  	s2 =	sadd.s32 s2, s17  }
0x8e: {  	[smem:$0x3FC2] =	sst s2  }
0x8f: {  	_ = 	snop  }
0x90: {  	s2 =	sld [smem:$0x3FD0];
	(tm) =	ssettm $0x1  }
0x91: {  	s18 =	sld [smem:$0x3FFB];
	_ =	sdelay $0x3  }
0x92: {  	_ =	strace s18  }
0x93: {  	s3 =	sld [smem:$0x3FFC];
	_ =	sdelay $0x3  }
0x94: {  	_ =	strace s3  }
0x95: {  	s3 =	sld [smem:$0x3FFD];
	_ =	sdelay $0x3  }
0x96: {  	_ =	strace s3  }
0x97: {  	_ =	strace $0x8FFFFFFF  }
0x98: {  	s19 =	sld [smem:$0x3FDB];
	_ =	sdelay $0x1  }
0x99: {  	s4 =	simm.s32 $_scs_section_size  }
0x9a: {  	s5 =	simm.s32 $_size__tile_overlayer_lowered;
	s6 =	simm.s32 $_tile_overlayer_lowered  }
0x9b: {  	s22 =	simm.s32 $0x1BFF;
	s21 =	sshll.u32 s6, $0x1;
	s3 =	sadd.s32 s4, s19  }
0x9c: {  	s7 =	simm.s32 $0x0;
	s20 =	sshll.u32 s5, $0x1;
	s5 =	sadd.s32 s21, s3  }
0x9d: {  	[timem:s7], [sflag:s22] =	dma.local [hbm:s5], s20  }
0x9e: {  	_ =	swait.ge [sflag:s22], s20  }
0x9f: {  	s4 =	ssub.s32 $0x0, s20;
	[sflag:s22] =	ssyncset.done $0x0  }
0xa0: {  	[sflag:s22] =	ssyncadd.s32 s4;
	_ =	sdelay $0x1  }
0xa1: {  	s23 =	simm.s32 $0x1B8B  }
0xa2: {  	_ =	swait.ge [sflag:s23], $0x1  }
0xa3: {  	[sflag:s23] =	ssyncset.done $0x0  }
0xa4: {  	s25 =	simm.s32 $0x1B8E;
	s24 =	sld [smem:$0x3FFE];
	[sflag:s23] =	ssyncadd.s32 $0xFFFFFFFF  }
0xa5: {  	s26 =	simm.s32 $execute0_lowered;
	[smem:$0x3FD2] =	sst s25  }
0xa6: {  	s5 =	sshll.u32 s26, $0x1;
	_ =	strace $0x8000004C;
	[dreg:$0x1] =	wrdreg $0xFFFFFFFF  }
0xa7: {  	s28 =	simm.s32 $_size_execute0_lowered;
	s3 =	sadd.s32 s3, s5;
	[dreg:$0x0] =	wrdreg $0x0  }
0xa8: {  	s5 =	sshll.u32 s28, $0x1;
	[dreg:$0x2] =	wrdreg s3  }
0xa9: {  	[dreg:$0x3] =	wrdreg s5  }
0xaa: {  	[dreg:$0x4] =	wrdreg $0xC0  }
0xab: {  	_ =	task [dreg:s7], $0x5FFFF  }
0xac: {  	[dreg:$0x1] =	wrdreg $0xFFFFFFFF  }
0xad: {  	[dreg:$0x0] =	wrdreg $0x60  }
0xae: {  	[dreg:$0x2] =	wrdreg s24  }
0xaf: {  	[dreg:$0x3] =	wrdreg s2  }
0xb0: {  	[dreg:$0x4] =	wrdreg $0x0  }
0xb1: {  	[dreg:$0x5] =	wrdreg $0x9  }
0xb2: {  	_ =	task.clear_ibuf [dreg:s7], $0x6FFFF;
	_ =	strace $0x9000004C  }
0xb3: {  	s29 =	simm.s32 $0x9;
	_ =	strace $0x8000004E  }
0xb4: {  	_ =	swait.ge [sflag:s29], $0x1  }
0xb5: {  	[sflag:s29] =	ssyncadd.s32 $0xFFFFFFFF  }
0xb6: {  	_ =	strace $0x9000004E  }
0xb7: {  	_ =	sfence  }
0xb8: {  	s30 =	sld [smem:$0x0];
	_ =	sdelay $0x2  }
0xb9: {  	s31 =	sshll.u32 s1, $0xD;
	s1 =	sshrl.u32 s1, $0x2  }
0xba: {  	s3 =	sand.u32 $0x4000, s31;
	s1 =	sadd.s32 s1, s30  }
0xbb: {  	s0 =	sor.u32 s3, s0;
	s1 =	sshll.u32 s1, $0x11  }
0xbc: {  	s0 =	sor.u32 s1, s0  }
0xbd: {  	s0 =	sadd.s32 $0x8F2B, s0  }
0xbe: {  	[sflag:s0] =	ssyncadd.remote.s32 $0x1  }
0xbf: {  	_ =	sfence.sel $0xFFFF  }
0xc0: {  	[dreg:$0x0] =	wrdreg $0xFFFFFFFF;
	(pc) =	sbr.abs _section_cstart, $3  }
0xc1: {  	[dreg:$0x1] =	wrdreg $0xFFFFFFFF  }
0xc2: {  	_ =	task.clear_ibuf [dreg:s7], $0x2FFFF;
	_ =	strace $0x9FFFFFFF  }
0xc3: {  	(tm) =	ssettm $0x7FFFFFFF  }
tec
execute0_lowered:
.L_overlay_start_1:
0x0: {  	(tag) =	ssettag $0x1  }
0x1: {  	s5 =	rddreg [dreg:$0x0]  }
0x2: {  	s9 =	rddreg [dreg:$0x1]  }
0x3: {  	s2 =	rddreg [dreg:$0x2]  }
0x4: {  	s0 =	rddreg [dreg:$0x3]  }
0x5: {  	s3 =	simm.s32 $0x0;
	s4 =	srdreg.scid;
	s1 =	stileid.u32  }
0x6: {  	s15 =	simm.s32 $0x80;
	s16 =	simm.s32 $0x16800;
	s17 =	simm.s32 $0x14080  }
0x7: {  	s18 =	simm.s32 $0x1A800;
	s21 =	simm.s32 $0x1;
	s22 =	simm.s32 $0x2  }
0x8: {  	s23 =	simm.s32 $0x16700;
	s24 =	simm.s32 $0x16780;
	s25 =	simm.s32 $0x0  }
0x9: {  	[smem:$0x7FF] =	sst s3;
	s6 =	sand.u32 $0x1, s4;
	s7 =	smul.u32 $0x14000, s1  }
0xa: {  	s10 =	sshll.u32 s1, $0x1;
	s4 =	sadd.s32 $0x5CC00, s5;
	s11 =	sadd.s32 $0x2C00, s5  }
0xb: {  	s31 =	smul.u32 $0x50000, s1;
	s19 =	sshll.u32 s1, $0x6;
	_ =	strace $0x8000004D  }
0xc: {  	s8 =	smul.u32 $0x140000, s6;
	s10 =	sor.u32 s6, s10;
	s6 =	ssub.s32 $0x2, s6  }
0xd: {  	s19 =	sor.u32 $0x1C03, s19;
	s12 =	smul.u32 $0x500, s10;
	s13 =	sshrl.u32 s6, $0x1  }
0xe: {  	s10 =	smul.u32 $0x2800, s10;
	s8 =	sadd.s32 s7, s8;
	s13 =	ssub.s32 s6, s13  }
0xf: {  	s7 =	sshrl.u32 s7, $0x3;
	s8 =	sshrl.u32 s8, $0x3;
	s6 =	sadd.s32 s9, s12  }
0x10: {  	s10 =	sshrl.u32 s10, $0x3;
	s7 =	sadd.s32 s4, s7;
	s14 =	sadd.s32 s8, s5  }
0x11: {  	s5 =	sadd.s32 s11, s12;
	s8 =	sshrl.u32 s31, $0x2;
	s10 =	sadd.s32 $0x280, s10  }
0x12: {  	s12 =	simm.s32 $0x14000;
	s20 =	sadd.s32 s8, s2;
	s8 =	sadd.s32 s11, s10  }
0x13: {  	s9 =	sadd.s32 s9, s10;
	s10 =	sadd.s32 $0x84C00, s14;
	s11 =	smax.u32 s13, $0x1  }
0x14: {  	s13 =	simm.s32 $0x3;
	s14 =	simm.s32 $0x15400;
	s20 =	sshrl.u32 s20, $0x3  }
.LBB2_1:
0x15: {  	[tilespmem:s12], [sflag:$0x3] =	stream.linear.gather [hbm4b:s5+s3], $0x1400, $0x38;
	[tilespmem:$0x1E800] =	vst v63  }
0x16: {  	_ =	swait.ge [sflag:s13], $0x1400  }
0x17: {  	[sflag:s13] =	ssyncset.done $0x0  }
0x18: {  	[sflag:s13] =	ssyncadd.s32 $0xFFFFEC00  }
0x19: {  	[tilespmem:s14], [sflag:$0x3] =	stream.linear.gather [hbm4b:s6+s3], $0x1400, $0x38;
	[tilespmem:$0x1E800] =	vst v63  }
0x1a: {  	_ =	swait.ge [sflag:s13], $0x1400  }
0x1b: {  	[sflag:s13] =	ssyncset.done $0x0  }
0x1c: {  	[sflag:s13] =	ssyncadd.s32 $0xFFFFEC00  }
0x1d: {  	[tilespmem:s16], [sflag:$0x1] =	stream.indirect.gather [hbm4b:s4+s15], $0x80, s12, s15, $0xb8;
	[tilespmem:$0x1E800] =	vst v63  }
0x1e: {  	_ = 	snop  }
0x1f: {  	[tilespmem:s18], [sflag:$0x2] =	stream.indirect.gather [hbm4b:s4+s15], $0x80, s17, s15, $0xb8;
	[tilespmem:$0x1E800] =	vst v63  }
0x20: {  	[spmem:s20], [sflag:s19] =	dma.local [hbm:s7], $0x2800  }
0x21: {  	_ =	swait.ge [sflag:s13], $0x2800  }
0x22: {  	[sflag:s13] =	ssyncset.done $0x0  }
0x23: {  	[sflag:s13] =	ssyncadd.s32 $0xFFFFD800  }
0x24: {  	[bflag:$0x0] =	sbarrier.arrive $0xFFFF  }
0x25: {  	_ =	swait.ge [sflag:s21], $0x4000  }
0x26: {  	[sflag:s21] =	ssyncset.done $0x0  }
0x27: {  	s26 =	simm.s32 $0x15400;
	[sflag:s21] =	ssyncadd.s32 $0xFFFFC000  }
0x28: {  	[spmem:s2] =	stream.indirect.scatter.add.f32 [tilespmem:s16], [sflag:$0x3], $0x80, s26, s15, $0xb8;
	[tilespmem:$0x1E800] =	vst v63  }
0x29: {  	_ =	swait.ge [sflag:s13], $0x4000  }
0x2a: {  	[sflag:s13] =	ssyncset.done $0x0  }
0x2b: {  	s30 =	simm.s32 $0x14100;
	[sflag:s13] =	ssyncadd.s32 $0xFFFFC000  }
0x2c: {  	[tilespmem:s16], [sflag:$0x1] =	stream.indirect.gather [hbm4b:s4+s15], $0x80, s30, s15, $0xb8;
	[tilespmem:$0x1E800] =	vst v63  }
0x2d: {  	_ =	swait.ge [sflag:s22], $0x4000  }
0x2e: {  	[sflag:s22] =	ssyncset.done $0x0  }
0x2f: {  	s31 =	simm.s32 $0x15480;
	[sflag:s22] =	ssyncadd.s32 $0xFFFFC000  }
0x30: {  	[spmem:s2] =	stream.indirect.scatter.add.f32 [tilespmem:s18], [sflag:$0x3], $0x80, s31, s15, $0xb8;
	[tilespmem:$0x1E800] =	vst v63  }
0x31: {  	_ =	swait.ge [sflag:s13], $0x4000  }
0x32: {  	[sflag:s13] =	ssyncset.done $0x0  }
0x33: {  	s28 =	simm.s32 $0x14180;
	s26 =	simm.s32 $0x400;
	[sflag:s13] =	ssyncadd.s32 $0xFFFFC000  }
.LBB2_2:
0x34: {  	[tilespmem:s18], [sflag:$0x2] =	stream.indirect.gather [hbm4b:s4+s15], $0x80, s28, s15, $0xb8;
	[tilespmem:$0x1E800] =	vst v63  }
0x35: {  	s28 =	smov.u32 s26  }
0x36: {  	p0 =	sne.s32 s26, $0x4800;
	s26 =	sadd.s32 $0x400, s26;
	_ =	swait.ge [sflag:s21], $0x4000  }
0x37: {  	s28 =	sshra.s32 s28, $0x2;
	[sflag:s21] =	ssyncset.done $0x0  }
0x38: {  	s29 =	sadd.s32 $0x15400, s28;
	[sflag:s21] =	ssyncadd.s32 $0xFFFFC000  }
0x39: {  	[spmem:s2] =	stream.indirect.scatter.add.f32 [tilespmem:s16], [sflag:$0x3], $0x80, s29, s15, $0xb8;
	[tilespmem:$0x1E800] =	vst v63  }
0x3a: {  	_ =	swait.ge [sflag:s13], $0x4000  }
0x3b: {  	[sflag:s13] =	ssyncset.done $0x0  }
0x3c: {  	s29 =	sadd.s32 $0x14100, s28;
	[sflag:s13] =	ssyncadd.s32 $0xFFFFC000  }
0x3d: {  	[tilespmem:s16], [sflag:$0x1] =	stream.indirect.gather [hbm4b:s4+s15], $0x80, s29, s15, $0xb8;
	[tilespmem:$0x1E800] =	vst v63  }
0x3e: {  	_ =	swait.ge [sflag:s22], $0x4000  }
0x3f: {  	[sflag:s22] =	ssyncset.done $0x0  }
.Ltmp0:
0x40: {  	s29 =	sadd.s32 $0x15480, s28;
	[sflag:s22] =	ssyncadd.s32 $0xFFFFC000;
	(pc) =	sbr.rel @p0 .LBB2_2-.Ltmp0, $4  }
0x41: {  	[spmem:s2] =	stream.indirect.scatter.add.f32 [tilespmem:s18], [sflag:$0x3], $0x80, s29, s15, $0xb8;
	[tilespmem:$0x1E800] =	vst v63  }
0x42: {  	_ =	swait.ge [sflag:s13], $0x4000  }
0x43: {  	[sflag:s13] =	ssyncset.done $0x0  }
0x44: {  	s28 =	sadd.s32 $0x14180, s28;
	[sflag:s13] =	ssyncadd.s32 $0xFFFFC000  }
0x45: {  	[tilespmem:s18], [sflag:$0x2] =	stream.indirect.gather [hbm4b:s4+s15], $0x80, s28, s15, $0xb8;
	[tilespmem:$0x1E800] =	vst v63  }
0x46: {  	_ =	swait.ge [sflag:s21], $0x4000  }
0x47: {  	[sflag:s21] =	ssyncset.done $0x0  }
0x48: {  	[sflag:s21] =	ssyncadd.s32 $0xFFFFC000  }
0x49: {  	[spmem:s2] =	stream.indirect.scatter.add.f32 [tilespmem:s16], [sflag:$0x3], $0x80, s23, s15, $0xb8;
	[tilespmem:$0x1E800] =	vst v63  }
0x4a: {  	_ =	swait.ge [sflag:s13], $0x4000  }
0x4b: {  	[sflag:s13] =	ssyncset.done $0x0  }
0x4c: {  	[sflag:s13] =	ssyncadd.s32 $0xFFFFC000  }
0x4d: {  	_ =	swait.ge [sflag:s22], $0x4000  }
0x4e: {  	[sflag:s22] =	ssyncset.done $0x0  }
0x4f: {  	[sflag:s22] =	ssyncadd.s32 $0xFFFFC000  }
0x50: {  	[spmem:s2] =	stream.indirect.scatter.add.f32 [tilespmem:s18], [sflag:$0x3], $0x80, s24, s15, $0xb8;
	[tilespmem:$0x1E800] =	vst v63  }
0x51: {  	_ =	swait.ge [sflag:s13], $0x4000  }
0x52: {  	[sflag:s13] =	ssyncset.done $0x0  }
0x53: {  	s26 =	simm.s32 $0x0;
	[sflag:s13] =	ssyncadd.s32 $0xFFFFC000  }
0x54: {  	[tilespmem:s12], [sflag:$0x3] =	stream.linear.gather [hbm4b:s8+s26], $0x1400, $0x38;
	[tilespmem:$0x1E800] =	vst v63  }
0x55: {  	_ =	swait.ge [sflag:s13], $0x1400  }
0x56: {  	[sflag:s13] =	ssyncset.done $0x0  }
0x57: {  	[sflag:s13] =	ssyncadd.s32 $0xFFFFEC00  }
0x58: {  	[tilespmem:s14], [sflag:$0x3] =	stream.linear.gather [hbm4b:s9+s26], $0x1400, $0x38;
	[tilespmem:$0x1E800] =	vst v63  }
0x59: {  	_ =	swait.ge [sflag:s13], $0x1400  }
0x5a: {  	[sflag:s13] =	ssyncset.done $0x0  }
0x5b: {  	[sflag:s13] =	ssyncadd.s32 $0xFFFFEC00  }
0x5c: {  	[tilespmem:s16], [sflag:$0x1] =	stream.indirect.gather [hbm4b:s4+s15], $0x80, s12, s15, $0xb8;
	[tilespmem:$0x1E800] =	vst v63  }
0x5d: {  	_ = 	snop  }
0x5e: {  	[tilespmem:s18], [sflag:$0x2] =	stream.indirect.gather [hbm4b:s4+s15], $0x80, s17, s15, $0xb8;
	[tilespmem:$0x1E800] =	vst v63  }
0x5f: {  	_ =	swait.ge [sflag:s21], $0x4000  }
0x60: {  	[sflag:s21] =	ssyncset.done $0x0  }
0x61: {  	s29 =	simm.s32 $0x15400;
	[sflag:s21] =	ssyncadd.s32 $0xFFFFC000  }
0x62: {  	[spmem:s2] =	stream.indirect.scatter.add.f32 [tilespmem:s16], [sflag:$0x3], $0x80, s29, s15, $0xb8;
	[tilespmem:$0x1E800] =	vst v63  }
0x63: {  	_ =	swait.ge [sflag:s13], $0x4000  }
0x64: {  	[sflag:s13] =	ssyncset.done $0x0  }
0x65: {  	s30 =	simm.s32 $0x14100;
	[sflag:s13] =	ssyncadd.s32 $0xFFFFC000  }
0x66: {  	[tilespmem:s16], [sflag:$0x1] =	stream.indirect.gather [hbm4b:s4+s15], $0x80, s30, s15, $0xb8;
	[tilespmem:$0x1E800] =	vst v63  }
0x67: {  	_ =	swait.ge [sflag:s22], $0x4000  }
0x68: {  	[sflag:s22] =	ssyncset.done $0x0  }
0x69: {  	s31 =	simm.s32 $0x15480;
	[sflag:s22] =	ssyncadd.s32 $0xFFFFC000  }
0x6a: {  	[spmem:s2] =	stream.indirect.scatter.add.f32 [tilespmem:s18], [sflag:$0x3], $0x80, s31, s15, $0xb8;
	[tilespmem:$0x1E800] =	vst v63  }
0x6b: {  	_ =	swait.ge [sflag:s13], $0x4000  }
0x6c: {  	[sflag:s13] =	ssyncset.done $0x0  }
0x6d: {  	s28 =	simm.s32 $0x14180;
	s26 =	simm.s32 $0x400;
	[sflag:s13] =	ssyncadd.s32 $0xFFFFC000  }
.LBB2_4:
0x6e: {  	[tilespmem:s18], [sflag:$0x2] =	stream.indirect.gather [hbm4b:s4+s15], $0x80, s28, s15, $0xb8;
	[tilespmem:$0x1E800] =	vst v63  }
0x6f: {  	s28 =	smov.u32 s26  }
0x70: {  	p0 =	sne.s32 s26, $0x4800;
	s26 =	sadd.s32 $0x400, s26;
	_ =	swait.ge [sflag:s21], $0x4000  }
0x71: {  	s28 =	sshra.s32 s28, $0x2;
	[sflag:s21] =	ssyncset.done $0x0  }
0x72: {  	s29 =	sadd.s32 $0x15400, s28;
	[sflag:s21] =	ssyncadd.s32 $0xFFFFC000  }
0x73: {  	[spmem:s2] =	stream.indirect.scatter.add.f32 [tilespmem:s16], [sflag:$0x3], $0x80, s29, s15, $0xb8;
	[tilespmem:$0x1E800] =	vst v63  }
0x74: {  	_ =	swait.ge [sflag:s13], $0x4000  }
0x75: {  	[sflag:s13] =	ssyncset.done $0x0  }
0x76: {  	s29 =	sadd.s32 $0x14100, s28;
	[sflag:s13] =	ssyncadd.s32 $0xFFFFC000  }
0x77: {  	[tilespmem:s16], [sflag:$0x1] =	stream.indirect.gather [hbm4b:s4+s15], $0x80, s29, s15, $0xb8;
	[tilespmem:$0x1E800] =	vst v63  }
0x78: {  	_ =	swait.ge [sflag:s22], $0x4000  }
0x79: {  	[sflag:s22] =	ssyncset.done $0x0  }
.Ltmp1:
0x7a: {  	s29 =	sadd.s32 $0x15480, s28;
	[sflag:s22] =	ssyncadd.s32 $0xFFFFC000;
	(pc) =	sbr.rel @p0 .LBB2_4-.Ltmp1, $4  }
0x7b: {  	[spmem:s2] =	stream.indirect.scatter.add.f32 [tilespmem:s18], [sflag:$0x3], $0x80, s29, s15, $0xb8;
	[tilespmem:$0x1E800] =	vst v63  }
0x7c: {  	_ =	swait.ge [sflag:s13], $0x4000  }
0x7d: {  	[sflag:s13] =	ssyncset.done $0x0  }
0x7e: {  	s28 =	sadd.s32 $0x14180, s28;
	[sflag:s13] =	ssyncadd.s32 $0xFFFFC000  }
0x7f: {  	[tilespmem:s18], [sflag:$0x2] =	stream.indirect.gather [hbm4b:s4+s15], $0x80, s28, s15, $0xb8;
	[tilespmem:$0x1E800] =	vst v63  }
0x80: {  	_ =	swait.ge [sflag:s21], $0x4000  }
0x81: {  	[sflag:s21] =	ssyncset.done $0x0  }
0x82: {  	[sflag:s21] =	ssyncadd.s32 $0xFFFFC000  }
0x83: {  	[spmem:s2] =	stream.indirect.scatter.add.f32 [tilespmem:s16], [sflag:$0x3], $0x80, s23, s15, $0xb8;
	[tilespmem:$0x1E800] =	vst v63  }
0x84: {  	_ =	swait.ge [sflag:s13], $0x4000  }
0x85: {  	[sflag:s13] =	ssyncset.done $0x0  }
0x86: {  	[sflag:s13] =	ssyncadd.s32 $0xFFFFC000  }
0x87: {  	_ =	swait.ge [sflag:s22], $0x4000  }
0x88: {  	[sflag:s22] =	ssyncset.done $0x0  }
0x89: {  	[sflag:s22] =	ssyncadd.s32 $0xFFFFC000  }
0x8a: {  	[spmem:s2] =	stream.indirect.scatter.add.f32 [tilespmem:s18], [sflag:$0x3], $0x80, s24, s15, $0xb8;
	[tilespmem:$0x1E800] =	vst v63  }
0x8b: {  	_ =	swait.ge [sflag:s13], $0x4000  }
0x8c: {  	s25 =	sadd.s32 $0x1, s25;
	[sflag:s13] =	ssyncset.done $0x0  }
0x8d: {  	p0 =	sne.s32 s25, s11;
	[sflag:s13] =	ssyncadd.s32 $0xFFFFC000  }
.Ltmp2:
0x8e: {  	[bflag:$0x0] =	sbarrier.arrive $0xFFFF;
	(pc) =	sbr.rel @p0 .LBB2_1-.Ltmp2, $4  }
0x8f: {  	[hbm:s10], [sflag:s19] =	dma.local [spmem:s20], $0x2800  }
0x90: {  	_ =	swait.ge [sflag:s13], $0x2800  }
0x91: {  	[sflag:s13] =	ssyncset.done $0x0  }
0x92: {  	[sflag:s13] =	ssyncadd.s32 $0xFFFFD800  }
0x93: {  	_ =	sfence.sel $0x180000  }
0x94: {  	[bflag:$0x0] =	sbarrier.arrive $0xFFFF  }
0x95: {  	p0 =	sne.s32 s1, $0x0;
	_ =	strace $0x9000004D  }
0x96: {  	s0 =	sadd.s32 @!p0 $0x100000, s0;
	[bflag:$0x2] =	sbarrier.arrive $0xFFFF  }
0x97: {  	[sflag:s0] =	ssyncadd.tile.s32 @!p0 $0x1;
	_ =	shalt  }
.Lfunc_end2:
_tile_overlayer_lowered:
.L_overlay_start_2:
0x98: {  	(tag) =	ssettag $0x2  }
0x99: {  	s0 =	rddreg [dreg:$0x0];
	s2 =	stileid.u32  }
0x9a: {  	s1 =	rddreg [dreg:$0x1];
	p0 =	sne.s32 s2, $0x0  }
0x9b: {  	s3 =	rddreg [dreg:$0x2];
	[bflag:$0x3] =	sbarrier.arrive $0xFFFF;
	s2 =	simm.s32 @!p0 $0x1C03  }
0x9c: {  	[timem:s3], [sflag:s2] =	dma.local @!p0 [hbm:s0], s1  }
0x9d: {  	s0 =	simm.s32 @!p0 $0x3  }
0x9e: {  	_ =	swait.ge @!p0 [sflag:s0], s1  }
0x9f: {  	s1 =	ssub.s32 @!p0 $0x0, s1;
	[sflag:s0] =	ssyncset.done @!p0 $0x0  }
0xa0: {  	[sflag:s0] =	ssyncadd.s32 @!p0 s1  }
0xa1: {  	[bflag:$0x3] =	sbarrier.arrive $0xFFFF  }
0xa2: {  	_ =	shalt  }

// kernel: kernel.8.cloned.1.call-start
scs
__scs_entry_jumppad:
0x0: {  	(pc) =	sbr.rel $0x88, $3  }
0x1: {  	(tag) =	ssettag $0x0;
	lr =	simm.s32 $0x1  }
0x2: {  	[smem:$0x3F9B] =	sst lr;
	_ =	strace $0xD0000000  }
0x3: {  	_ = 	snop  }
0x4: {  	_ = 	snop  }
0x5: {  	_ = 	snop  }
0x6: {  	_ = 	snop  }
0x7: {  	_ = 	snop  }
__scs_overlays_trampoline_lowered:
0x8: {  	[smem:$0x3FAA] =	sst s0  }
0x9: {  	[smem:$0x3FAB] =	sst s1  }
0xa: {  	[smem:$0x3FAC] =	sst s2  }
0xb: {  	[smem:$0x3FAD] =	sst s3  }
0xc: {  	[smem:$0x3FAE] =	sst s4  }
0xd: {  	[smem:$0x3FAF] =	sst s5  }
0xe: {  	[smem:$0x3FB0] =	sst s6  }
0xf: {  	[smem:$0x3FB1] =	sst s7  }
0x10: {  	[smem:$0x3FB2] =	sst s8  }
0x11: {  	[smem:$0x3FB3] =	sst s9;
	s0 =	simm.s32 @!p0 $0x0  }
0x12: {  	s1 =	sld [smem:$0x3F99];
	s0 =	simm.s32 @p0 $0x1  }
0x13: {  	[smem:$0x3FB4] =	sst s0;
	s0 =	simm.s32 @!p1 $0x0  }
0x14: {  	s2 =	sld [smem:$0x3F98];
	s0 =	simm.s32 @p1 $0x1  }
0x15: {  	[smem:$0x3FB5] =	sst s0;
	s0 =	simm.s32 @!p2 $0x0  }
0x16: {  	s3 =	sld [smem:$0x3FDB];
	s0 =	simm.s32 @p2 $0x1  }
0x17: {  	s4 =	simm.s32 $0x1BF5;
	[smem:$0x3FB7] =	sst s0  }
0x18: {  	s0 =	sld [smem:$0x3F9A];
	_ =	swait.ge [sflag:s4], $0x0  }
0x19: {  	s7 =	sld [smem:$0x3F9B]  }
0x1a: {  	s8 =	sadd.s32 $0xFFFFE003, lr  }
0x1b: {  	s9 =	sadd.s32 $0xFFFFFEF7, lr;
	s5 =	simm.s32 $0xFFFFFFFF;
	p2 =	slt.u32 s8, $0xFFFFF086  }
0x1c: {  	p1 =	slt.u32 s9, $0xF7A;
	s5 =	simm.s32 @!p2 $0x0  }
0x1d: {  	s5 =	simm.s32 @p1 $0x1;
	p0 =	seq.s32 s7, s2  }
0x1e: {  	s7 =	smul.u32 @!p0 $0xF7A, s2;
	p2 =	seq.s32 @!p0 s5, $0x0  }
0x1f: {  	s9 =	smul.u32 $0xF7A, s1;
	s8 =	simm.s32 @!p0 $0x1BF5;
	p2 =	por !p2, p0  }
0x20: {  	[sflag:s8] =	ssyncset.s32 @!p0 $0xFFFFF086;
	s6 =	sadd.s32 @!p0 s3, s7;
	s7 =	simm.s32 @!p0 $0x108  }
0x21: {  	s3 =	sadd.s32 s3, s9;
	s6 =	sadd.s32 @!p0 $0x88, s6;
	s7 =	simm.s32 @p2 $0x1082  }
0x22: {  	[simem:s7], [sflag:s8] =	dma.local @!p0 [hbm:s6], $0xF7A  }
0x23: {  	s9 =	sor.u32 $0xD0000000, s2;
	s6 =	simm.s32 $0x108;
	_ =	swait.ge @!p0 [sflag:s8], $0x0  }
0x24: {  	s3 =	sadd.s32 $0x88, s3;
	s6 =	simm.s32 @!p1 $0x1082;
	[sflag:s4] =	ssyncset.s32 $0xFFFFF086  }
0x25: {  	[simem:s6], [sflag:s4] =	dma.local [hbm:s3], $0xF7A  }
0x26: {  	[smem:$0x3F9B] =	sst s1;
	(tag) =	ssettag s2;
	_ =	strace s9  }
0x27: {  	s1 =	sld [smem:$0x3FAB]  }
0x28: {  	s2 =	sld [smem:$0x3FAC]  }
0x29: {  	s4 =	sld [smem:$0x3FAE]  }
0x2a: {  	p0 =	seq.s32 s5, $0x0;
	s5 =	sld [smem:$0x3FAF]  }
0x2b: {  	s6 =	sld [smem:$0x3FB0]  }
0x2c: {  	s7 =	sld [smem:$0x3FB1]  }
0x2d: {  	s3 =	simm.s32 $0x108;
	s8 =	sld [smem:$0x3FB2]  }
0x2e: {  	s3 =	simm.s32 @!p0 $0x1082;
	s9 =	sld [smem:$0x3FB3]  }
0x2f: {  	lr =	sadd.s32 s0, s3;
	s0 =	sld [smem:$0x3FAA]  }
0x30: {  	s3 =	sld [smem:$0x3FAD]  }
0x31: {  	[smem:$0x3FB6] =	sst s10  }
0x32: {  	s10 =	sld [smem:$0x3FB4];
	_ =	sdelay $0x3  }
0x33: {  	p0 =	seq.s32 s10, $0x1;
	s10 =	sld [smem:$0x3FB6];
	_ =	sdelay $0x3  }
0x34: {  	[smem:$0x3FB6] =	sst s10  }
0x35: {  	s10 =	sld [smem:$0x3FB5];
	_ =	sdelay $0x3  }
0x36: {  	p1 =	seq.s32 s10, $0x1;
	s10 =	sld [smem:$0x3FB6];
	_ =	sdelay $0x3  }
0x37: {  	[smem:$0x3FB6] =	sst s10  }
0x38: {  	s10 =	sld [smem:$0x3FB7]  }
0x39: {  	_ = 	snop;
	(pc) =	sbr.ind lr, $3  }
0x3a: {  	_ = 	snop  }
0x3b: {  	_ = 	snop  }
0x3c: {  	p2 =	seq.s32 s10, $0x1;
	s10 =	sld [smem:$0x3FB6]  }
0x3d: {  	_ =	shalt  }
0x3e: {  	_ =	shalt  }
0x3f: {  	_ =	shalt  }
0x40: {  	_ =	shalt  }
0x41: {  	_ =	shalt  }
0x42: {  	_ =	shalt  }
0x43: {  	_ =	shalt  }
0x44: {  	_ =	shalt  }
0x45: {  	_ =	shalt  }
0x46: {  	_ =	shalt  }
0x47: {  	_ =	shalt  }
0x48: {  	_ =	shalt  }
0x49: {  	_ =	shalt  }
0x4a: {  	_ =	shalt  }
0x4b: {  	_ =	shalt  }
0x4c: {  	_ =	shalt  }
0x4d: {  	_ =	shalt  }
0x4e: {  	_ =	shalt  }
0x4f: {  	_ =	shalt  }
0x50: {  	_ =	shalt  }
0x51: {  	_ =	shalt  }
0x52: {  	_ =	shalt  }
0x53: {  	_ =	shalt  }
0x54: {  	_ =	shalt  }
0x55: {  	_ =	shalt  }
0x56: {  	_ =	shalt  }
0x57: {  	_ =	shalt  }
0x58: {  	_ =	shalt  }
0x59: {  	_ =	shalt  }
0x5a: {  	_ =	shalt  }
0x5b: {  	_ =	shalt  }
0x5c: {  	_ =	shalt  }
0x5d: {  	_ =	shalt  }
0x5e: {  	_ =	shalt  }
0x5f: {  	_ =	shalt  }
0x60: {  	_ =	shalt  }
0x61: {  	_ =	shalt  }
0x62: {  	_ =	shalt  }
0x63: {  	_ =	shalt  }
0x64: {  	_ =	shalt  }
0x65: {  	_ =	shalt  }
0x66: {  	_ =	shalt  }
0x67: {  	_ =	shalt  }
0x68: {  	_ =	shalt  }
0x69: {  	_ =	shalt  }
0x6a: {  	_ =	shalt  }
0x6b: {  	_ =	shalt  }
0x6c: {  	_ =	shalt  }
0x6d: {  	_ =	shalt  }
0x6e: {  	_ =	shalt  }
0x6f: {  	_ =	shalt  }
0x70: {  	_ =	shalt  }
0x71: {  	_ =	shalt  }
0x72: {  	_ =	shalt  }
0x73: {  	_ =	shalt  }
0x74: {  	_ =	shalt  }
0x75: {  	_ =	shalt  }
0x76: {  	_ =	shalt  }
0x77: {  	_ =	shalt  }
0x78: {  	_ =	shalt  }
0x79: {  	_ =	shalt  }
0x7a: {  	_ =	shalt  }
0x7b: {  	_ =	shalt  }
0x7c: {  	_ =	shalt  }
0x7d: {  	_ =	shalt  }
0x7e: {  	_ =	shalt  }
0x7f: {  	_ =	shalt  }
0x80: {  	_ =	shalt  }
0x81: {  	_ =	shalt  }
0x82: {  	_ =	shalt  }
0x83: {  	_ =	shalt  }
0x84: {  	_ =	shalt  }
0x85: {  	_ =	shalt  }
0x86: {  	_ =	shalt  }
0x87: {  	_ =	shalt  }
.Lfunc_end0:
.L_simem_size_0:
called_computation_lowered:
.L_overlay_start_0:
0x88: {  	s2 =	sld [smem:$0x3FD9]  }
0x89: {  	s3 =	sld [smem:$0x3FFE];
	_ =	sdelay $0x1  }
0x8a: {  	s1 =	srdreg.scid  }
0x8b: {  	s0 =	sand.u32 $0x1, s1  }
0x8c: {  	s17 =	sshll.u32 s0, $0xA;
	s2 =	sadd.s32 s3, s2  }
0x8d: {  	s2 =	sadd.s32 s2, s17  }
0x8e: {  	[smem:$0x3FC2] =	sst s2  }
0x8f: {  	_ = 	snop  }
0x90: {  	s2 =	sld [smem:$0x3FD0];
	(tm) =	ssettm $0x1  }
0x91: {  	s18 =	sld [smem:$0x3FFB];
	_ =	sdelay $0x3  }
0x92: {  	_ =	strace s18  }
0x93: {  	s3 =	sld [smem:$0x3FFC];
	_ =	sdelay $0x3  }
0x94: {  	_ =	strace s3  }
0x95: {  	s3 =	sld [smem:$0x3FFD];
	_ =	sdelay $0x3  }
0x96: {  	_ =	strace s3  }
0x97: {  	_ =	strace $0x8FFFFFFF  }
0x98: {  	s19 =	sld [smem:$0x3FDB];
	_ =	sdelay $0x1  }
0x99: {  	s4 =	simm.s32 $_scs_section_size  }
0x9a: {  	s5 =	simm.s32 $_size__tile_overlayer_lowered;
	s6 =	simm.s32 $_tile_overlayer_lowered  }
0x9b: {  	s22 =	simm.s32 $0x1BFF;
	s21 =	sshll.u32 s6, $0x1;
	s3 =	sadd.s32 s4, s19  }
0x9c: {  	s7 =	simm.s32 $0x0;
	s20 =	sshll.u32 s5, $0x1;
	s5 =	sadd.s32 s21, s3  }
0x9d: {  	[timem:s7], [sflag:s22] =	dma.local [hbm:s5], s20  }
0x9e: {  	_ =	swait.ge [sflag:s22], s20  }
0x9f: {  	s4 =	ssub.s32 $0x0, s20;
	[sflag:s22] =	ssyncset.done $0x0  }
0xa0: {  	[sflag:s22] =	ssyncadd.s32 s4;
	_ =	sdelay $0x1  }
0xa1: {  	s23 =	simm.s32 $0x1B8B  }
0xa2: {  	_ =	swait.ge [sflag:s23], $0x1  }
0xa3: {  	[sflag:s23] =	ssyncset.done $0x0  }
0xa4: {  	s25 =	simm.s32 $0x1B8E;
	s24 =	sld [smem:$0x3FFE];
	[sflag:s23] =	ssyncadd.s32 $0xFFFFFFFF  }
0xa5: {  	s26 =	simm.s32 $execute0_lowered;
	[smem:$0x3FD2] =	sst s25  }
0xa6: {  	s5 =	sshll.u32 s26, $0x1;
	_ =	strace $0x80000046;
	[dreg:$0x1] =	wrdreg $0xFFFFFFFF  }
0xa7: {  	s28 =	simm.s32 $_size_execute0_lowered;
	s3 =	sadd.s32 s3, s5;
	[dreg:$0x0] =	wrdreg $0x0  }
0xa8: {  	s5 =	sshll.u32 s28, $0x1;
	[dreg:$0x2] =	wrdreg s3  }
0xa9: {  	[dreg:$0x3] =	wrdreg s5  }
0xaa: {  	[dreg:$0x4] =	wrdreg $0xC0  }
0xab: {  	_ =	task [dreg:s7], $0x5FFFF  }
0xac: {  	[dreg:$0x1] =	wrdreg $0xFFFFFFFF  }
0xad: {  	[dreg:$0x0] =	wrdreg $0x60  }
0xae: {  	[dreg:$0x2] =	wrdreg s2  }
0xaf: {  	[dreg:$0x3] =	wrdreg s24  }
0xb0: {  	[dreg:$0x4] =	wrdreg $0x0  }
0xb1: {  	[dreg:$0x5] =	wrdreg $0x9  }
0xb2: {  	_ =	task.clear_ibuf [dreg:s7], $0x6FFFF;
	_ =	strace $0x90000046  }
0xb3: {  	s29 =	simm.s32 $0x9;
	_ =	strace $0x80000048  }
0xb4: {  	_ =	swait.ge [sflag:s29], $0x1  }
0xb5: {  	[sflag:s29] =	ssyncadd.s32 $0xFFFFFFFF  }
0xb6: {  	_ =	strace $0x90000048  }
0xb7: {  	_ =	sfence  }
0xb8: {  	s30 =	sld [smem:$0x0];
	_ =	sdelay $0x2  }
0xb9: {  	s31 =	sshll.u32 s1, $0xD;
	s1 =	sshrl.u32 s1, $0x2  }
0xba: {  	s3 =	sand.u32 $0x4000, s31;
	s1 =	sadd.s32 s1, s30  }
0xbb: {  	s0 =	sor.u32 s3, s0;
	s1 =	sshll.u32 s1, $0x11  }
0xbc: {  	s0 =	sor.u32 s1, s0  }
0xbd: {  	s0 =	sadd.s32 $0x8F2B, s0  }
0xbe: {  	[sflag:s0] =	ssyncadd.remote.s32 $0x1  }
0xbf: {  	_ =	sfence.sel $0xFFFF  }
0xc0: {  	[dreg:$0x0] =	wrdreg $0xFFFFFFFF;
	(pc) =	sbr.abs _section_cstart, $3  }
0xc1: {  	[dreg:$0x1] =	wrdreg $0xFFFFFFFF  }
0xc2: {  	_ =	task.clear_ibuf [dreg:s7], $0x2FFFF;
	_ =	strace $0x9FFFFFFF  }
0xc3: {  	(tm) =	ssettm $0x7FFFFFFF  }
tec
execute0_lowered:
.L_overlay_start_1:
0x0: {  	(tag) =	ssettag $0x1  }
0x1: {  	s5 =	rddreg [dreg:$0x0]  }
0x2: {  	s4 =	rddreg [dreg:$0x1];
	s0 =	srdreg.scid  }
0x3: {  	s2 =	rddreg [dreg:$0x2];
	s1 =	stileid.u32  }
0x4: {  	s3 =	simm.s32 $0x0;
	s12 =	simm.s32 $0x5000;
	s13 =	simm.s32 $0x1  }
0x5: {  	s14 =	simm.s32 $0x2800;
	s15 =	simm.s32 $0x80;
	s8 =	smul.u32 $0x14000, s1  }
0x6: {  	s6 =	sand.u32 $0x1, s0;
	s0 =	rddreg [dreg:$0x3];
	s30 =	smul.u32 $0x50000, s1  }
0x7: {  	[smem:$0x7FF] =	sst s3;
	s29 =	sshll.u32 s1, $0x1;
	s7 =	smul.u32 $0x140000, s6  }
0x8: {  	s16 =	sshll.u32 s1, $0x6;
	_ =	strace $0x80000047;
	s9 =	ssub.s32 $0x2, s6  }
0x9: {  	s6 =	sor.u32 s6, s29;
	s16 =	sor.u32 $0x1C01, s16;
	s7 =	sadd.s32 s8, s7  }
0xa: {  	s10 =	sshrl.u32 s9, $0x1;
	s6 =	smul.u32 $0x500, s6;
	s7 =	sshrl.u32 s7, $0x3  }
0xb: {  	s31 =	sshrl.u32 s30, $0x2;
	s9 =	ssub.s32 s9, s10;
	s7 =	sadd.s32 s7, s4  }
0xc: {  	s5 =	sadd.s32 s5, s6;
	s4 =	sadd.s32 s31, s2;
	s6 =	sadd.s32 $0xCC00, s7  }
0xd: {  	s7 =	smax.u32 s9, $0x1;
	s8 =	sadd.s32 $0x4000, s4;
	s9 =	sadd.s32 $0x8000, s4  }
0xe: {  	v0 =	vimm.f32 $1.000000000e+00;
	s10 =	sadd.s32 $0xC000, s4;
	s11 =	sadd.s32 $0x10000, s4;
	s17 =	sshrl.u32 s4, $0x3  }
.LBB2_1:
0xf: {  	s18 =	simm.s32 $0x200;
	s19 =	simm.s32 $0x0  }
.LBB2_2:
0x10: {  	p0 =	sne.s32 s18, $0xFE00;
	[tilespmem:s19+$0x5000] =	vst v0;
	s19 =	smov.u32 s18;
	s18 =	sadd.s32 $0x200, s18  }
.Ltmp0:
0x11: {  	(pc) =	sbr.rel @p0 .LBB2_2-.Ltmp0, $2  }
0x12: {  	_ =	sdelay $0x2  }
0x13: {  	s19 =	sshra.s32 s19, $0x2  }
0x14: {  	[tilespmem:s19+$0x5000] =	vst v0  }
0x15: {  	[spmem:s4] =	stream.linear.scatter [tilespmem:s12], [sflag:$0x1], $0x4000, $0x38;
	[tilespmem:$0x9000] =	vst v63  }
0x16: {  	_ =	swait.ge [sflag:s13], $0x4000  }
0x17: {  	[sflag:s13] =	ssyncset.done $0x0  }
0x18: {  	[sflag:s13] =	ssyncadd.s32 $0xFFFFC000  }
0x19: {  	[spmem:s8] =	stream.linear.scatter [tilespmem:s12], [sflag:$0x1], $0x4000, $0x38;
	[tilespmem:$0x9000] =	vst v63  }
0x1a: {  	_ =	swait.ge [sflag:s13], $0x4000  }
0x1b: {  	[sflag:s13] =	ssyncset.done $0x0  }
0x1c: {  	[sflag:s13] =	ssyncadd.s32 $0xFFFFC000  }
0x1d: {  	[spmem:s9] =	stream.linear.scatter [tilespmem:s12], [sflag:$0x1], $0x4000, $0x38;
	[tilespmem:$0x9000] =	vst v63  }
0x1e: {  	_ =	swait.ge [sflag:s13], $0x4000  }
0x1f: {  	[sflag:s13] =	ssyncset.done $0x0  }
0x20: {  	[sflag:s13] =	ssyncadd.s32 $0xFFFFC000  }
0x21: {  	[spmem:s10] =	stream.linear.scatter [tilespmem:s12], [sflag:$0x1], $0x4000, $0x38;
	[tilespmem:$0x9000] =	vst v63  }
0x22: {  	_ =	swait.ge [sflag:s13], $0x4000  }
0x23: {  	[sflag:s13] =	ssyncset.done $0x0  }
0x24: {  	[sflag:s13] =	ssyncadd.s32 $0xFFFFC000  }
0x25: {  	[spmem:s11] =	stream.linear.scatter [tilespmem:s12], [sflag:$0x1], $0x4000, $0x38;
	[tilespmem:$0x9000] =	vst v63  }
0x26: {  	_ =	swait.ge [sflag:s13], $0x4000  }
0x27: {  	[sflag:s13] =	ssyncset.done $0x0  }
0x28: {  	s18 =	simm.s32 $0x0;
	[sflag:s13] =	ssyncadd.s32 $0xFFFFC000  }
0x29: {  	[tilespmem:s14], [sflag:$0x1] =	stream.linear.gather [hbm4b:s5+s18], $0x2800, $0x38;
	[tilespmem:$0x9000] =	vst v63  }
0x2a: {  	_ =	swait.ge [sflag:s13], $0x2800  }
0x2b: {  	[sflag:s13] =	ssyncset.done $0x0  }
0x2c: {  	[sflag:s13] =	ssyncadd.s32 $0xFFFFD800  }
0x2d: {  	s31 =	simm.s32 $0x2800;
	[bflag:$0x0] =	sbarrier.arrive $0xFFFF  }
0x2e: {  	[spmem:s2] =	stream.indirect.scatter.add.f32 [tilespmem:s12], [sflag:$0x1], $0x10, s31, s15, $0xb8;
	[tilespmem:$0x9000] =	vst v63  }
0x2f: {  	s18 =	simm.s32 $0x200;
	_ =	swait.ge [sflag:s13], $0x800  }
.LBB2_4:
0x30: {  	s19 =	sshra.s32 s18, $0x2;
	[sflag:s13] =	ssyncset.done $0x0;
	p0 =	sne.s32 s18, $0x9E00  }
.Ltmp1:
0x31: {  	s19 =	sadd.s32 $0x2800, s19;
	[sflag:s13] =	ssyncadd.s32 $0xFFFFF800;
	(pc) =	sbr.rel @p0 .LBB2_4-.Ltmp1, $3  }
0x32: {  	[spmem:s2] =	stream.indirect.scatter.add.f32 [tilespmem:s12], [sflag:$0x1], $0x10, s19, s15, $0xb8;
	[tilespmem:$0x9000] =	vst v63  }
0x33: {  	s18 =	sadd.s32 $0x200, s18;
	_ =	sdelay $0x1  }
0x34: {  	_ =	swait.ge [sflag:s13], $0x800  }
0x35: {  	[sflag:s13] =	ssyncset.done $0x0;
	s3 =	sadd.s32 $0x1, s3  }
0x36: {  	[sflag:s13] =	ssyncadd.s32 $0xFFFFF800;
	p0 =	sne.s32 s3, s7  }
.Ltmp2:
0x37: {  	[bflag:$0x0] =	sbarrier.arrive $0xFFFF;
	(pc) =	sbr.rel @p0 .LBB2_1-.Ltmp2, $4  }
0x38: {  	[hbm:s6], [sflag:s16] =	dma.local [spmem:s17], $0x2800  }
0x39: {  	_ =	swait.ge [sflag:s13], $0x2800  }
0x3a: {  	[sflag:s13] =	ssyncset.done $0x0  }
0x3b: {  	[sflag:s13] =	ssyncadd.s32 $0xFFFFD800  }
0x3c: {  	_ =	sfence.sel $0x180000  }
0x3d: {  	[bflag:$0x0] =	sbarrier.arrive $0xFFFF  }
0x3e: {  	p0 =	sne.s32 s1, $0x0;
	_ =	strace $0x90000047  }
0x3f: {  	s0 =	sadd.s32 @!p0 $0x100000, s0;
	[bflag:$0x2] =	sbarrier.arrive $0xFFFF  }
0x40: {  	[sflag:s0] =	ssyncadd.tile.s32 @!p0 $0x1;
	_ =	shalt  }
.Lfunc_end2:
_tile_overlayer_lowered:
.L_overlay_start_2:
0x41: {  	(tag) =	ssettag $0x2  }
0x42: {  	s0 =	rddreg [dreg:$0x0];
	s2 =	stileid.u32  }
0x43: {  	s1 =	rddreg [dreg:$0x1];
	p0 =	sne.s32 s2, $0x0  }
0x44: {  	s3 =	rddreg [dreg:$0x2];
	[bflag:$0x3] =	sbarrier.arrive $0xFFFF;
	s2 =	simm.s32 @!p0 $0x1C01  }
0x45: {  	[timem:s3], [sflag:s2] =	dma.local @!p0 [hbm:s0], s1  }
0x46: {  	s0 =	simm.s32 @!p0 $0x1  }
0x47: {  	_ =	swait.ge @!p0 [sflag:s0], s1  }
0x48: {  	s1 =	ssub.s32 @!p0 $0x0, s1;
	[sflag:s0] =	ssyncset.done @!p0 $0x0  }
0x49: {  	[sflag:s0] =	ssyncadd.s32 @!p0 s1  }
0x4a: {  	[bflag:$0x3] =	sbarrier.arrive $0xFFFF  }
0x4b: {  	_ =	shalt  }

</sc_bundles>
